<compile_context>
chip_gen: v7x
topology: tpu7x:2x2x1
jax: 0.10.2.dev20260603
libtpu: 0.0.44.dev20260713+nightly
codegen_flags: <defaults>
</compile_context>

<pallas_src>
import functools

import jax
import jax.numpy as jnp
import numpy as np
from jax import lax
from jax.experimental import pallas as pl
from jax.experimental.pallas import tpu as pltpu
from jax.experimental.pallas import tpu_sc as plsc

B, T, C = 1, 2048, 1024
H, DH = 16, 64
L = 512
E, K = 8, 2
F = 1024
SH = 2 * F

BT = 256
BLK = 256
NB = (T * K) // BLK + E
NS = NB * BLK
NP = T * K
EPS = 1e-6
ISQ_DH = 1.0 / np.sqrt(DH)
ISQ_C = 1.0 / np.sqrt(C)

NW = 32
BW = 64
CH = NP // (NW * BW)


def _rms(x, w):
    return x * lax.rsqrt(jnp.mean(x * x, axis=-1, keepdims=True) + EPS) * w


def _proj_body(x_ref, ln1_ref, wq_ref, wkvd_ref, wku_ref, wvu_ref,
               q_ref, k_ref, v_ref):
    h = _rms(x_ref[...], ln1_ref[...])
    q_ref[...] = (jnp.dot(h, wq_ref[...], preferred_element_type=jnp.float32)
                  * ISQ_DH).astype(jnp.bfloat16)
    kvl = jnp.dot(h, wkvd_ref[...], preferred_element_type=jnp.float32)
    k_ref[...] = jnp.dot(kvl, wku_ref[...],
                         preferred_element_type=jnp.float32).astype(jnp.bfloat16)
    vv = jnp.dot(kvl, wvu_ref[...], preferred_element_type=jnp.float32)
    v_ref[...] = jnp.concatenate(
        [vv, jnp.ones((BT, 1), jnp.float32),
         jnp.zeros((BT, 128 - DH - 1), jnp.float32)],
        axis=-1).astype(jnp.bfloat16)


def _proj(x2d, ln1_w, wq, wkv_down, wk_up, wv_up):
    nt = T // BT
    return pl.pallas_call(
        _proj_body,
        grid=(nt,),
        in_specs=[
            pl.BlockSpec((BT, C), lambda i: (i, 0)),
            pl.BlockSpec((1, C), lambda i: (0, 0)),
            pl.BlockSpec((C, H * DH), lambda i: (0, 0)),
            pl.BlockSpec((C, L), lambda i: (0, 0)),
            pl.BlockSpec((L, DH), lambda i: (0, 0)),
            pl.BlockSpec((L, DH), lambda i: (0, 0)),
        ],
        out_specs=[
            pl.BlockSpec((BT, H * DH), lambda i: (i, 0)),
            pl.BlockSpec((BT, DH), lambda i: (i, 0)),
            pl.BlockSpec((BT, 128), lambda i: (i, 0)),
        ],
        out_shape=[
            jax.ShapeDtypeStruct((T, H * DH), jnp.bfloat16),
            jax.ShapeDtypeStruct((T, DH), jnp.bfloat16),
            jax.ShapeDtypeStruct((T, 128), jnp.bfloat16),
        ],
    )(x2d, ln1_w.reshape(1, C), wq, wkv_down, wk_up, wv_up)


BQ = 512


def _attn_piece_body(p, TK, q_ref, kt_ref, va_ref, o_ref):
    q = q_ref[0]
    s = jnp.dot(q, kt_ref[...], preferred_element_type=jnp.float32)
    m = jnp.max(s, axis=-1, keepdims=True)
    rr = p * BQ + lax.broadcasted_iota(jnp.int32, (BQ, TK), 0)
    cc = lax.broadcasted_iota(jnp.int32, (BQ, TK), 1)
    pm = jnp.exp(s - m) * (cc <= rr).astype(jnp.float32)
    acc = jnp.dot(pm.astype(jnp.bfloat16), va_ref[...],
                  preferred_element_type=jnp.float32)
    o_ref[0] = (acc[:, :DH] * (1.0 / acc[:, DH:DH + 1])).astype(jnp.bfloat16)


def _attn_piece(qh, kt, va, p, TK):
    body = functools.partial(_attn_piece_body, p, TK)
    return pl.pallas_call(
        body,
        grid=(H,),
        in_specs=[
            pl.BlockSpec((1, BQ, DH), lambda h: (h, p, 0)),
            pl.BlockSpec((DH, TK), lambda h: (0, 0)),
            pl.BlockSpec((TK, 128), lambda h: (0, 0)),
        ],
        out_specs=pl.BlockSpec((1, BQ, DH), lambda h: (h, 0, 0)),
        out_shape=jax.ShapeDtypeStruct((H, BQ, DH), jnp.bfloat16),
    )(qh, kt[:, :TK], va[:TK])


def _attn(qh, kt, va):
    pieces = []
    for p in range(T // BQ):
        TK = (p + 1) * BQ
        pieces.append(_attn_piece(qh, kt, va, p, TK))
    return jnp.concatenate(pieces, axis=1)


def _post_body(x_ref, y_ref, wo_ref, ln2_ref, rw_ref, rb_ref,
               x1_ref, h2_ref, idx_ref, wsel_ref):
    x1 = x_ref[...] + jnp.dot(y_ref[...].astype(jnp.float32), wo_ref[...],
                              preferred_element_type=jnp.float32)
    x1_ref[...] = x1
    h2 = _rms(x1, ln2_ref[...])
    h2_ref[...] = h2
    lg = jnp.dot(h2, rw_ref[...], preferred_element_type=jnp.float32) * ISQ_C
    biased = lg + rb_ref[...]
    iota_e = lax.broadcasted_iota(jnp.int32, (BT, E), 1)
    m1 = jnp.max(biased, axis=-1, keepdims=True)
    i1 = jnp.min(jnp.where(biased == m1, iota_e, E), axis=-1, keepdims=True)
    rest = jnp.where(iota_e == i1, -jnp.inf, biased)
    m2 = jnp.max(rest, axis=-1, keepdims=True)
    i2 = jnp.min(jnp.where(rest == m2, iota_e, E), axis=-1, keepdims=True)
    l1 = jnp.sum(jnp.where(iota_e == i1, lg, 0.0), axis=-1, keepdims=True)
    l2 = jnp.sum(jnp.where(iota_e == i2, lg, 0.0), axis=-1, keepdims=True)
    mx = jnp.maximum(l1, l2)
    e1 = jnp.exp(l1 - mx)
    e2 = jnp.exp(l2 - mx)
    den = e1 + e2
    idx_ref[...] = jnp.concatenate([i1, i2], axis=-1)
    wsel_ref[...] = jnp.concatenate([e1 / den, e2 / den], axis=-1)


def _post(x2d, y, wo, ln2_w, router_w, router_b):
    nt = T // BT
    return pl.pallas_call(
        _post_body,
        grid=(nt,),
        in_specs=[
            pl.BlockSpec((BT, C), lambda i: (i, 0)),
            pl.BlockSpec((BT, H * DH), lambda i: (i, 0)),
            pl.BlockSpec((H * DH, C), lambda i: (0, 0)),
            pl.BlockSpec((1, C), lambda i: (0, 0)),
            pl.BlockSpec((C, E), lambda i: (0, 0)),
            pl.BlockSpec((1, E), lambda i: (0, 0)),
        ],
        out_specs=[
            pl.BlockSpec((BT, C), lambda i: (i, 0)),
            pl.BlockSpec((BT, C), lambda i: (i, 0)),
            pl.BlockSpec((BT, K), lambda i: (i, 0)),
            pl.BlockSpec((BT, K), lambda i: (i, 0)),
        ],
        out_shape=[
            jax.ShapeDtypeStruct((T, C), jnp.float32),
            jax.ShapeDtypeStruct((T, C), jnp.float32),
            jax.ShapeDtypeStruct((T, K), jnp.int32),
            jax.ShapeDtypeStruct((T, K), jnp.float32),
        ],
    )(x2d, y, wo, ln2_w.reshape(1, C), router_w, router_b.reshape(1, E))


def _shared_body(x1_ref, h2_ref, sw1_ref, sw3_ref, sw2_ref, acc_ref):
    h2 = h2_ref[...]
    s1 = jnp.dot(h2, sw1_ref[...], preferred_element_type=jnp.float32)
    s3 = jnp.dot(h2, sw3_ref[...], preferred_element_type=jnp.float32)
    sh = jnp.dot(s1 * (s3 * jax.nn.sigmoid(s3)), sw2_ref[...],
                 preferred_element_type=jnp.float32)
    acc_ref[...] = x1_ref[...] + sh


def _shared(x1, h2, sw1, sw3, sw2):
    nt = T // BT
    return pl.pallas_call(
        _shared_body,
        grid=(nt,),
        in_specs=[
            pl.BlockSpec((BT, C), lambda i: (i, 0)),
            pl.BlockSpec((BT, C), lambda i: (i, 0)),
            pl.BlockSpec((C, SH), lambda i: (0, 0)),
            pl.BlockSpec((C, SH), lambda i: (0, 0)),
            pl.BlockSpec((SH, C), lambda i: (0, 0)),
        ],
        out_specs=pl.BlockSpec((BT, C), lambda i: (i, 0)),
        out_shape=jax.ShapeDtypeStruct((T, C), jnp.float32),
    )(x1, h2, sw1, sw3, sw2)


def _meta_body(idx_ref, slot_ref, be_ref, bv_ref):
    idx = idx_ref[...]
    il = lax.broadcasted_iota(jnp.int32, (T, 128), 1)
    oh0 = (il == idx[:, 0:1]).astype(jnp.bfloat16)
    oh1 = (il == idx[:, 1:2]).astype(jnp.bfloat16)
    ri = lax.broadcasted_iota(jnp.int32, (T, T), 0)
    ci = lax.broadcasted_iota(jnp.int32, (T, T), 1)
    ltri = (ri > ci).astype(jnp.bfloat16)
    pref0 = jnp.dot(ltri, oh0, preferred_element_type=jnp.float32)
    pref1 = jnp.dot(ltri, oh1, preferred_element_type=jnp.float32)
    oh0f = oh0.astype(jnp.float32)
    oh1f = oh1.astype(jnp.float32)
    tot0 = jnp.sum(oh0f, axis=0, keepdims=True)
    tot1 = jnp.sum(oh1f, axis=0, keepdims=True)
    pref1 = pref1 + tot0
    counts = tot0 + tot1
    nb = jnp.floor((counts + (BLK - 1)) / BLK)
    la = lax.broadcasted_iota(jnp.int32, (128, 128), 0)
    lb = lax.broadcasted_iota(jnp.int32, (128, 128), 1)
    umat = ((la <= lb) & (la < E)).astype(jnp.bfloat16)
    cum_nb = jnp.dot(nb.astype(jnp.bfloat16), umat,
                     preferred_element_type=jnp.float32)
    bstart = (cum_nb - nb) * BLK
    lane = lax.broadcasted_iota(jnp.int32, (1, 128), 1).astype(jnp.float32)
    b_col = lax.broadcasted_iota(jnp.int32, (128, 1), 0).astype(jnp.float32)
    cum_row = jnp.dot(nb.astype(jnp.bfloat16), umat,
                      preferred_element_type=jnp.float32)
    cmp_t = ((cum_row <= b_col) & (lane < E)).astype(jnp.float32)
    blk_e = jnp.sum(cmp_t, axis=1, keepdims=True)
    valid = (blk_e < E).astype(jnp.float32)
    last_e = jnp.max(jnp.where((counts > 0) & (lane < E), lane, 0.0),
                     axis=1, keepdims=True)
    blk_e_fin = jnp.where(valid > 0, jnp.minimum(blk_e, E - 1.0), last_e)
    be_ref[...] = blk_e_fin.astype(jnp.int32)
    bv_ref[...] = valid.astype(jnp.int32)
    rank0 = jnp.sum(pref0 * oh0f, axis=-1, keepdims=True)
    rank1 = jnp.sum(pref1 * oh1f, axis=-1, keepdims=True)
    base0 = jnp.sum(bstart * oh0f, axis=-1, keepdims=True)
    base1 = jnp.sum(bstart * oh1f, axis=-1, keepdims=True)
    slot0 = (rank0 + base0).astype(jnp.int32)
    slot1 = (rank1 + base1).astype(jnp.int32)
    slot_ref[...] = jnp.concatenate([slot0, slot1], axis=-1)


def _meta(idx):
    return pl.pallas_call(
        _meta_body,
        grid=(1,),
        in_specs=[pl.BlockSpec((T, K), lambda i: (0, 0))],
        out_specs=[
            pl.BlockSpec((T, K), lambda i: (0, 0)),
            pl.BlockSpec((128, 1), lambda i: (0, 0)),
            pl.BlockSpec((128, 1), lambda i: (0, 0)),
        ],
        out_shape=[
            jax.ShapeDtypeStruct((T, K), jnp.int32),
            jax.ShapeDtypeStruct((128, 1), jnp.int32),
            jax.ShapeDtypeStruct((128, 1), jnp.int32),
        ],
    )(idx)


def _sc_dispatch(h2, slots_w, tok_w):
    mesh = plsc.VectorSubcoreMesh(core_axis_name="c", subcore_axis_name="s")

    @functools.partial(
        pl.kernel,
        out_type=jax.ShapeDtypeStruct((NS, C), jnp.float32),
        mesh=mesh,
        scratch_types=[
            pltpu.VMEM((CH, BW), jnp.int32),
            pltpu.VMEM((CH, BW), jnp.int32),
            pltpu.VMEM((BW, C), jnp.float32),
            pltpu.SemaphoreType.DMA,
        ],
    )
    def k(h2_hbm, sl_hbm, tk_hbm, xs_hbm, sl_v, tk_v, rows_v, sem):
        wid = lax.axis_index("s") * 2 + lax.axis_index("c")
        pltpu.sync_copy(sl_hbm.at[wid], sl_v)
        pltpu.sync_copy(tk_hbm.at[wid], tk_v)
        for c in range(CH):
            pltpu.async_copy(h2_hbm.at[tk_v.at[c]], rows_v, sem).wait()
            pltpu.async_copy(rows_v, xs_hbm.at[sl_v.at[c]], sem).wait()

    return k(h2, slots_w, tok_w)


def _sc_combine(eout, slots_w):
    mesh = plsc.VectorSubcoreMesh(core_axis_name="c", subcore_axis_name="s")

    @functools.partial(
        pl.kernel,
        out_type=jax.ShapeDtypeStruct((NP, C), jnp.float32),
        mesh=mesh,
        scratch_types=[
            pltpu.VMEM((CH, BW), jnp.int32),
            pltpu.VMEM((BW, C), jnp.float32),
            pltpu.SemaphoreType.DMA,
        ],
    )
    def k(eo_hbm, sl_hbm, g_hbm, sl_v, rows_v, sem):
        wid = lax.axis_index("s") * 2 + lax.axis_index("c")
        pltpu.sync_copy(sl_hbm.at[wid], sl_v)
        for c in range(CH):
            pltpu.async_copy(eo_hbm.at[sl_v.at[c]], rows_v, sem).wait()
            pltpu.sync_copy(rows_v, g_hbm.at[pl.ds(wid * CH * BW + c * BW, BW)])

    return k(eout, slots_w)


def _moe_body(be_ref, bv_ref, xs_ref, w1_ref, w3_ref, w2_ref, out_ref):
    b = pl.program_id(0)

    @pl.when(bv_ref[b] != 0)
    def _():
        xs = xs_ref[...]
        t1 = jnp.dot(xs, w1_ref[0], preferred_element_type=jnp.float32)
        t3 = jnp.dot(xs, w3_ref[0], preferred_element_type=jnp.float32)
        hdn = t1 * (t3 * jax.nn.sigmoid(t3))
        out_ref[...] = jnp.dot(hdn, w2_ref[0],
                               preferred_element_type=jnp.float32)

    @pl.when(bv_ref[b] == 0)
    def _():
        out_ref[...] = jnp.zeros_like(out_ref)


def _moe(xs, ew1, ew3, ew2, block_e, block_v):
    grid_spec = pltpu.PrefetchScalarGridSpec(
        num_scalar_prefetch=2,
        grid=(NB,),
        in_specs=[
            pl.BlockSpec((BLK, C), lambda b, be, bv: (b, 0)),
            pl.BlockSpec((1, C, F), lambda b, be, bv: (be[b], 0, 0)),
            pl.BlockSpec((1, C, F), lambda b, be, bv: (be[b], 0, 0)),
            pl.BlockSpec((1, F, C), lambda b, be, bv: (be[b], 0, 0)),
        ],
        out_specs=pl.BlockSpec((BLK, C), lambda b, be, bv: (b, 0)),
    )
    return pl.pallas_call(
        _moe_body,
        grid_spec=grid_spec,
        out_shape=jax.ShapeDtypeStruct((NS, C), jnp.float32),
    )(block_e, block_v, xs, ew1, ew3, ew2)


def _fin_body(acc_ref, g0_ref, g1_ref, w_ref, o_ref):
    w = w_ref[...]
    o_ref[...] = (acc_ref[...] + w[:, 0:1] * g0_ref[...]
                  + w[:, 1:2] * g1_ref[...])


def _fin(acc, g, wsel):
    nt = T // BT
    return pl.pallas_call(
        _fin_body,
        grid=(nt,),
        in_specs=[
            pl.BlockSpec((BT, C), lambda i: (i, 0)),
            pl.BlockSpec((BT, C), lambda i: (i, 0)),
            pl.BlockSpec((BT, C), lambda i: (i + T // BT, 0)),
            pl.BlockSpec((BT, K), lambda i: (i, 0)),
        ],
        out_specs=pl.BlockSpec((BT, C), lambda i: (i, 0)),
        out_shape=jax.ShapeDtypeStruct((T, C), jnp.float32),
    )(acc, g, g, wsel)


def _forward(x, ln1_w, ln2_w, wq, wkv_down, wk_up, wv_up, wo,
             router_w, router_b, ew1, ew2, ew3, sw1, sw2, sw3):
    x2d = x.reshape(T, C)
    q, k, va = _proj(x2d, ln1_w, wq, wkv_down, wk_up, wv_up)
    qh = q.reshape(T, H, DH).transpose(1, 0, 2)
    yh = _attn(qh, k.T, va)
    y = yh.transpose(1, 0, 2).reshape(T, H * DH)
    x1, h2, idx, wsel = _post(x2d, y, wo, ln2_w, router_w, router_b)
    slots, be_c, bv_c = _meta(idx)
    block_e = be_c.reshape(128)[:NB]
    block_v = bv_c.reshape(128)[:NB]
    slots_w = slots.T.reshape(NW, CH, BW)
    tok_w = (jnp.arange(NP, dtype=jnp.int32) % T).reshape(NW, CH, BW)
    xs = _sc_dispatch(h2, slots_w, tok_w)
    acc = _shared(x1, h2, sw1, sw3, sw2)
    eout = _moe(xs, ew1, ew3, ew2, block_e, block_v)
    g = _sc_combine(eout, slots_w)
    out = _fin(acc, g, wsel)
    return out.reshape(B, T, C)


def kernel(x, ln1_w, ln2_w, wq, wkv_down, wk_up, wv_up, wo,
           router_w, router_b, ew1, ew2, ew3, sw1, sw2, sw3):
    return _forward(x, ln1_w, ln2_w, wq, wkv_down, wk_up, wv_up, wo,
                    router_w, router_b, ew1, ew2, ew3, sw1, sw2, sw3)

# --- scband reference (transcript-rebuilt; emitter-appended) ---
"""Pipeline reference for scband-block-34711925686740 (READ-ONLY COPY).

The authoritative reference and input builder live on the scoring server;
editing this copy changes nothing except your own understanding.
"""

import jax, jax.numpy as jnp
import numpy as np

B, T, C = 1, 2048, 1024
H, DH = 16, 64
L = 512
E, K = 8, 2
F = 1024
SH = 2 * F  # n_shared_experts * expert_ffn_dim


def rmsnorm(x, w, eps=1e-6):
    return x * jax.lax.rsqrt(jnp.mean(x * x, axis=-1, keepdims=True) + eps) * w


def setup_inputs(seed: int = 0) -> dict:
    key = jax.random.key(seed)
    ks = jax.random.split(key, 16)
    def s(i, shape, scale=0.02):
        return jax.random.normal(ks[i], shape, dtype=jnp.float32) * scale
    return {
        "x": jax.random.normal(ks[0], (B, T, C), dtype=jnp.float32),
        "ln1_w": jnp.ones((C,), dtype=jnp.float32),
        "ln2_w": jnp.ones((C,), dtype=jnp.float32),
        "wq": s(1, (C, H * DH)),
        "wkv_down": s(2, (C, L)),
        "wk_up": s(3, (L, DH)),
        "wv_up": s(4, (L, DH)),
        "wo": s(5, (H * DH, C)),
        "router_w": s(6, (C, E)),
        "router_b": jnp.zeros((E,), dtype=jnp.float32),
        "ew1": s(7, (E, C, F)),
        "ew2": s(8, (E, F, C)),
        "ew3": s(9, (E, C, F)),
        "sw1": s(10, (C, SH)),
        "sw2": s(11, (SH, C)),
        "sw3": s(12, (C, SH)),
    }


def reference(x, ln1_w, ln2_w, wq, wkv_down, wk_up, wv_up, wo,
              router_w, router_b, ew1, ew2, ew3, sw1, sw2, sw3):
    # --- MLA attention (pre-norm) ---
    h = rmsnorm(x, ln1_w)
    q = (h @ wq).reshape(B, T, H, DH).transpose(0, 2, 1, 3)  # [B,H,T,DH]
    kvl = h @ wkv_down                                       # [B,T,L]
    k = (kvl @ wk_up)                                        # [B,T,DH] shared across heads
    v = (kvl @ wv_up)
    k = jnp.broadcast_to(k[:, None, :, :], (B, H, T, DH))
    v = jnp.broadcast_to(v[:, None, :, :], (B, H, T, DH))
    att = jnp.einsum('bhqd,bhkd->bhqk', q, k) * (1.0 / np.sqrt(DH))
    causal = jnp.tril(jnp.ones((T, T), dtype=bool))
    att = jnp.where(causal[None, None], att, -jnp.inf)
    att = jax.nn.softmax(att, axis=-1)
    y = jnp.einsum('bhqk,bhkd->bhqd', att, v)
    y = y.transpose(0, 2, 1, 3).reshape(B, T, C) @ wo
    x1 = x + y
    # --- MoE layer (pre-norm) ---
    h2 = rmsnorm(x1, ln2_w)
    xf = h2.reshape(-1, C)                                   # [N,C]
    N = xf.shape[0]
    logits = (xf @ router_w) * (1.0 / np.sqrt(C))
    biased = logits + router_b
    _, idx = jax.lax.top_k(biased, K)                        # [N,K]
    tok = jnp.arange(N)
    mask = jnp.zeros_like(logits).at[tok[:, None], idx].set(1.0)
    masked = jnp.where(mask > 0, logits, -jnp.inf)
    w = jax.nn.softmax(masked, axis=-1)
    wsel = jnp.take_along_axis(w, idx, axis=-1)              # [N,K]
    combine = jnp.sum(jax.nn.one_hot(idx, E, dtype=xf.dtype) * wsel[..., None], axis=1)  # [N,E]
    hdn = jnp.einsum('nc,ecf->enf', xf, ew1) * jax.nn.silu(jnp.einsum('nc,ecf->enf', xf, ew3))
    eout = jnp.einsum('enf,efc->enc', hdn, ew2)
    moe = jnp.einsum('ne,enc->nc', combine, eout)
    shared = ((xf @ sw1) * jax.nn.silu(xf @ sw3)) @ sw2
    moe = moe + shared
    out = x1 + moe.reshape(B, T, C)
    return out

if __name__ == "__main__":
    import jax
    _d = setup_inputs()
    print(jax.jit(kernel)(*tuple(_d.values())))

</pallas_src>

<mosaic_0001>
#map = affine_map<(d0, d1) -> (0, 0)>
#map1 = affine_map<(d0, d1) -> (0, 0, 0)>
module attributes {stable_mosaic.version = 14 : i64} {
  func.func @k(%arg0: i32, %arg1: i32, %arg2: memref<6144x1024xf32, #tpu.memory_space<hbm>>, %arg3: memref<32x2x64xi32, #tpu.memory_space<hbm>>, %arg4: memref<4096x1024xf32, #tpu.memory_space<hbm>>, %arg5: memref<2x64xi32, #tpu.memory_space<vmem>>, %arg6: memref<64x1024xf32, #tpu.memory_space<vmem>>, %arg7: memref<!tpu.dma_semaphore, #tpu.memory_space<semaphore_mem>>) attributes {dimension_semantics = [#tpu.dimension_semantics<core_parallel>, #tpu.dimension_semantics<subcore_parallel>], iteration_bounds = array<i64: 2, 16>, scalar_prefetch = 0 : i64, scratch_operands = 3 : i64, tpu.core_type = #tpu.core_type<sc_vector_subcore>, window_params = [{transform_indices = #map}, {transform_indices = #map1}, {transform_indices = #map}]} {
    %mul3A = arith.constant 2 : i32
    %mul3A_0 = arith.muli %arg1, %mul3A : i32
    %add3A = arith.addi %mul3A_0, %arg0 : i32
    "tpu.region"() ({
      %run_scoped3A = tpu.sem_alloc : memref<!tpu.dma_semaphore, #tpu.memory_space<semaphore_mem>>
      %dma_start3A_39 = arith.constant 0 : i32
      %dma_start3A_40 = arith.constant 0 : i32
      %dma_start3A_41 = tpu.memref_slice %arg3[%add3A, %dma_start3A_39, %dma_start3A_40] : memref<32x2x64xi32, #tpu.memory_space<hbm>> -> memref<1x2x64xi32, #tpu.memory_space<hbm>>
      %dma_start3A_42 = tpu.memref_squeeze %dma_start3A_41 : memref<1x2x64xi32, #tpu.memory_space<hbm>> -> memref<2x64xi32, #tpu.memory_space<hbm>>
      %dma_start3A_43 = arith.constant 0 : i32
      %dma_start3A_44 = arith.constant 0 : i32
      %dma_start3A_45 = tpu.memref_slice %arg3[%add3A, %dma_start3A_43, %dma_start3A_44] : memref<32x2x64xi32, #tpu.memory_space<hbm>> -> memref<1x2x64xi32, #tpu.memory_space<hbm>>
      %dma_start3A_46 = tpu.memref_squeeze %dma_start3A_45 : memref<1x2x64xi32, #tpu.memory_space<hbm>> -> memref<2x64xi32, #tpu.memory_space<hbm>>
      tpu.enqueue_dma source(%dma_start3A_46 : memref<2x64xi32, #tpu.memory_space<hbm>>) target(%arg5 : memref<2x64xi32, #tpu.memory_space<vmem>>) target_semaphore(%run_scoped3A : memref<!tpu.dma_semaphore, #tpu.memory_space<semaphore_mem>>)
      %dma_wait3A_47 = arith.constant 0 : i32
      %dma_wait3A_48 = arith.constant 0 : i32
      %dma_wait3A_49 = tpu.memref_slice %arg3[%add3A, %dma_wait3A_47, %dma_wait3A_48] : memref<32x2x64xi32, #tpu.memory_space<hbm>> -> memref<1x2x64xi32, #tpu.memory_space<hbm>>
      %dma_wait3A_50 = tpu.memref_squeeze %dma_wait3A_49 : memref<1x2x64xi32, #tpu.memory_space<hbm>> -> memref<2x64xi32, #tpu.memory_space<hbm>>
      %dma_wait3A_51 = arith.constant 0 : i32
      %dma_wait3A_52 = arith.constant 0 : i32
      %dma_wait3A_53 = tpu.memref_slice %arg3[%add3A, %dma_wait3A_51, %dma_wait3A_52] : memref<32x2x64xi32, #tpu.memory_space<hbm>> -> memref<1x2x64xi32, #tpu.memory_space<hbm>>
      %dma_wait3A_54 = tpu.memref_squeeze %dma_wait3A_53 : memref<1x2x64xi32, #tpu.memory_space<hbm>> -> memref<2x64xi32, #tpu.memory_space<hbm>>
      tpu.wait_dma2 semaphore(%run_scoped3A : memref<!tpu.dma_semaphore, #tpu.memory_space<semaphore_mem>>) src(%dma_wait3A_54 : memref<2x64xi32, #tpu.memory_space<hbm>>) dst(%arg5 : memref<2x64xi32, #tpu.memory_space<vmem>>)
      tpu.yield
    }) : () -> ()
    %dma_start3A = arith.constant 0 : i32
    %dma_start3A_1 = arith.constant 0 : i32
    %dma_start3A_2 = tpu.memref_slice %arg5[%dma_start3A, %dma_start3A_1] : memref<2x64xi32, #tpu.memory_space<vmem>> -> memref<1x64xi32, #tpu.memory_space<vmem>>
    %dma_start3A_3 = tpu.memref_squeeze %dma_start3A_2 : memref<1x64xi32, #tpu.memory_space<vmem>> -> memref<64xi32, #tpu.memory_space<vmem>>
    %dma_start3A_4 = arith.constant 0 : i32
    %dma_start3A_5 = arith.constant 0 : i32
    %dma_start3A_6 = tpu.memref_slice %arg2[%dma_start3A_4, %dma_start3A_5] : memref<6144x1024xf32, #tpu.memory_space<hbm>> -> memref<6144x1024xf32, #tpu.memory_space<hbm>>
    tpu.enqueue_indirect_dma source(%dma_start3A_6 : memref<6144x1024xf32, #tpu.memory_space<hbm>>) target(%arg6 : memref<64x1024xf32, #tpu.memory_space<vmem>>) offsets(%dma_start3A_3 : memref<64xi32, #tpu.memory_space<vmem>>) semaphore(%arg7 : memref<!tpu.dma_semaphore, #tpu.memory_space<semaphore_mem>>)
    %dma_wait3A = arith.constant 0 : i32
    %dma_wait3A_7 = arith.constant 0 : i32
    %dma_wait3A_8 = tpu.memref_slice %arg5[%dma_wait3A, %dma_wait3A_7] : memref<2x64xi32, #tpu.memory_space<vmem>> -> memref<1x64xi32, #tpu.memory_space<vmem>>
    %dma_wait3A_9 = tpu.memref_squeeze %dma_wait3A_8 : memref<1x64xi32, #tpu.memory_space<vmem>> -> memref<64xi32, #tpu.memory_space<vmem>>
    %dma_wait3A_10 = arith.constant 0 : i32
    %dma_wait3A_11 = arith.constant 0 : i32
    %dma_wait3A_12 = tpu.memref_slice %arg2[%dma_wait3A_10, %dma_wait3A_11] : memref<6144x1024xf32, #tpu.memory_space<hbm>> -> memref<6144x1024xf32, #tpu.memory_space<hbm>>
    tpu.wait_indirect_dma semaphore(%arg7 : memref<!tpu.dma_semaphore, #tpu.memory_space<semaphore_mem>>) src(%dma_wait3A_12 : memref<6144x1024xf32, #tpu.memory_space<hbm>>) dst(%arg6 : memref<64x1024xf32, #tpu.memory_space<vmem>>)
    %mul3A_13 = arith.constant 2 : i32
    %mul3A_14 = arith.muli %add3A, %mul3A_13 : i32
    %mul3A_15 = arith.constant 64 : i32
    %mul3A_16 = arith.muli %mul3A_14, %mul3A_15 : i32
    %add3A_17 = arith.constant 0 : i32
    %add3A_18 = arith.addi %mul3A_16, %add3A_17 : i32
    "tpu.region"() ({
      %run_scoped3A = tpu.sem_alloc : memref<!tpu.dma_semaphore, #tpu.memory_space<semaphore_mem>>
      %dma_start3A_39 = arith.constant 0 : i32
      %dma_start3A_40 = tpu.memref_slice %arg4[%add3A_18, %dma_start3A_39] : memref<4096x1024xf32, #tpu.memory_space<hbm>> -> memref<64x1024xf32, #tpu.memory_space<hbm>>
      %dma_start3A_41 = arith.constant 0 : i32
      %dma_start3A_42 = tpu.memref_slice %arg4[%add3A_18, %dma_start3A_41] : memref<4096x1024xf32, #tpu.memory_space<hbm>> -> memref<64x1024xf32, #tpu.memory_space<hbm>>
      tpu.enqueue_dma source(%arg6 : memref<64x1024xf32, #tpu.memory_space<vmem>>) target(%dma_start3A_42 : memref<64x1024xf32, #tpu.memory_space<hbm>>) target_semaphore(%run_scoped3A : memref<!tpu.dma_semaphore, #tpu.memory_space<semaphore_mem>>)
      %dma_wait3A_43 = arith.constant 0 : i32
      %dma_wait3A_44 = tpu.memref_slice %arg4[%add3A_18, %dma_wait3A_43] : memref<4096x1024xf32, #tpu.memory_space<hbm>> -> memref<64x1024xf32, #tpu.memory_space<hbm>>
      %dma_wait3A_45 = arith.constant 0 : i32
      %dma_wait3A_46 = tpu.memref_slice %arg4[%add3A_18, %dma_wait3A_45] : memref<4096x1024xf32, #tpu.memory_space<hbm>> -> memref<64x1024xf32, #tpu.memory_space<hbm>>
      tpu.wait_dma2 semaphore(%run_scoped3A : memref<!tpu.dma_semaphore, #tpu.memory_space<semaphore_mem>>) src(%arg6 : memref<64x1024xf32, #tpu.memory_space<vmem>>) dst(%dma_wait3A_46 : memref<64x1024xf32, #tpu.memory_space<hbm>>)
      tpu.yield
    }) : () -> ()
    %dma_start3A_19 = arith.constant 1 : i32
    %dma_start3A_20 = arith.constant 0 : i32
    %dma_start3A_21 = tpu.memref_slice %arg5[%dma_start3A_19, %dma_start3A_20] : memref<2x64xi32, #tpu.memory_space<vmem>> -> memref<1x64xi32, #tpu.memory_space<vmem>>
    %dma_start3A_22 = tpu.memref_squeeze %dma_start3A_21 : memref<1x64xi32, #tpu.memory_space<vmem>> -> memref<64xi32, #tpu.memory_space<vmem>>
    %dma_start3A_23 = arith.constant 0 : i32
    %dma_start3A_24 = arith.constant 0 : i32
    %dma_start3A_25 = tpu.memref_slice %arg2[%dma_start3A_23, %dma_start3A_24] : memref<6144x1024xf32, #tpu.memory_space<hbm>> -> memref<6144x1024xf32, #tpu.memory_space<hbm>>
    tpu.enqueue_indirect_dma source(%dma_start3A_25 : memref<6144x1024xf32, #tpu.memory_space<hbm>>) target(%arg6 : memref<64x1024xf32, #tpu.memory_space<vmem>>) offsets(%dma_start3A_22 : memref<64xi32, #tpu.memory_space<vmem>>) semaphore(%arg7 : memref<!tpu.dma_semaphore, #tpu.memory_space<semaphore_mem>>)
    %dma_wait3A_26 = arith.constant 1 : i32
    %dma_wait3A_27 = arith.constant 0 : i32
    %dma_wait3A_28 = tpu.memref_slice %arg5[%dma_wait3A_26, %dma_wait3A_27] : memref<2x64xi32, #tpu.memory_space<vmem>> -> memref<1x64xi32, #tpu.memory_space<vmem>>
    %dma_wait3A_29 = tpu.memref_squeeze %dma_wait3A_28 : memref<1x64xi32, #tpu.memory_space<vmem>> -> memref<64xi32, #tpu.memory_space<vmem>>
    %dma_wait3A_30 = arith.constant 0 : i32
    %dma_wait3A_31 = arith.constant 0 : i32
    %dma_wait3A_32 = tpu.memref_slice %arg2[%dma_wait3A_30, %dma_wait3A_31] : memref<6144x1024xf32, #tpu.memory_space<hbm>> -> memref<6144x1024xf32, #tpu.memory_space<hbm>>
    tpu.wait_indirect_dma semaphore(%arg7 : memref<!tpu.dma_semaphore, #tpu.memory_space<semaphore_mem>>) src(%dma_wait3A_32 : memref<6144x1024xf32, #tpu.memory_space<hbm>>) dst(%arg6 : memref<64x1024xf32, #tpu.memory_space<vmem>>)
    %mul3A_33 = arith.constant 2 : i32
    %mul3A_34 = arith.muli %add3A, %mul3A_33 : i32
    %mul3A_35 = arith.constant 64 : i32
    %mul3A_36 = arith.muli %mul3A_34, %mul3A_35 : i32
    %add3A_37 = arith.constant 64 : i32
    %add3A_38 = arith.addi %mul3A_36, %add3A_37 : i32
    "tpu.region"() ({
      %run_scoped3A = tpu.sem_alloc : memref<!tpu.dma_semaphore, #tpu.memory_space<semaphore_mem>>
      %dma_start3A_39 = arith.constant 0 : i32
      %dma_start3A_40 = tpu.memref_slice %arg4[%add3A_38, %dma_start3A_39] : memref<4096x1024xf32, #tpu.memory_space<hbm>> -> memref<64x1024xf32, #tpu.memory_space<hbm>>
      %dma_start3A_41 = arith.constant 0 : i32
      %dma_start3A_42 = tpu.memref_slice %arg4[%add3A_38, %dma_start3A_41] : memref<4096x1024xf32, #tpu.memory_space<hbm>> -> memref<64x1024xf32, #tpu.memory_space<hbm>>
      tpu.enqueue_dma source(%arg6 : memref<64x1024xf32, #tpu.memory_space<vmem>>) target(%dma_start3A_42 : memref<64x1024xf32, #tpu.memory_space<hbm>>) target_semaphore(%run_scoped3A : memref<!tpu.dma_semaphore, #tpu.memory_space<semaphore_mem>>)
      %dma_wait3A_43 = arith.constant 0 : i32
      %dma_wait3A_44 = tpu.memref_slice %arg4[%add3A_38, %dma_wait3A_43] : memref<4096x1024xf32, #tpu.memory_space<hbm>> -> memref<64x1024xf32, #tpu.memory_space<hbm>>
      %dma_wait3A_45 = arith.constant 0 : i32
      %dma_wait3A_46 = tpu.memref_slice %arg4[%add3A_38, %dma_wait3A_45] : memref<4096x1024xf32, #tpu.memory_space<hbm>> -> memref<64x1024xf32, #tpu.memory_space<hbm>>
      tpu.wait_dma2 semaphore(%run_scoped3A : memref<!tpu.dma_semaphore, #tpu.memory_space<semaphore_mem>>) src(%arg6 : memref<64x1024xf32, #tpu.memory_space<vmem>>) dst(%dma_wait3A_46 : memref<64x1024xf32, #tpu.memory_space<hbm>>)
      tpu.yield
    }) : () -> ()
    return
  }
}

#map = affine_map<(d0, d1) -> (0, 0)>
#map1 = affine_map<(d0, d1) -> (0, 0, 0)>
module attributes {stable_mosaic.version = 14 : i64} {
  func.func @k(%arg0: i32, %arg1: i32, %arg2: memref<2048x1024xf32, #tpu.memory_space<hbm>>, %arg3: memref<32x2x64xi32, #tpu.memory_space<hbm>>, %arg4: memref<32x2x64xi32, #tpu.memory_space<hbm>>, %arg5: memref<6144x1024xf32, #tpu.memory_space<hbm>>, %arg6: memref<2x64xi32, #tpu.memory_space<vmem>>, %arg7: memref<2x64xi32, #tpu.memory_space<vmem>>, %arg8: memref<64x1024xf32, #tpu.memory_space<vmem>>, %arg9: memref<!tpu.dma_semaphore, #tpu.memory_space<semaphore_mem>>) attributes {dimension_semantics = [#tpu.dimension_semantics<core_parallel>, #tpu.dimension_semantics<subcore_parallel>], iteration_bounds = array<i64: 2, 16>, scalar_prefetch = 0 : i64, scratch_operands = 4 : i64, tpu.core_type = #tpu.core_type<sc_vector_subcore>, window_params = [{transform_indices = #map}, {transform_indices = #map1}, {transform_indices = #map1}, {transform_indices = #map}]} {
    %mul3A = arith.constant 2 : i32
    %mul3A_0 = arith.muli %arg1, %mul3A : i32
    %add3A = arith.addi %mul3A_0, %arg0 : i32
    "tpu.region"() ({
      %run_scoped3A = tpu.sem_alloc : memref<!tpu.dma_semaphore, #tpu.memory_space<semaphore_mem>>
      %dma_start3A_55 = arith.constant 0 : i32
      %dma_start3A_56 = arith.constant 0 : i32
      %dma_start3A_57 = tpu.memref_slice %arg3[%add3A, %dma_start3A_55, %dma_start3A_56] : memref<32x2x64xi32, #tpu.memory_space<hbm>> -> memref<1x2x64xi32, #tpu.memory_space<hbm>>
      %dma_start3A_58 = tpu.memref_squeeze %dma_start3A_57 : memref<1x2x64xi32, #tpu.memory_space<hbm>> -> memref<2x64xi32, #tpu.memory_space<hbm>>
      %dma_start3A_59 = arith.constant 0 : i32
      %dma_start3A_60 = arith.constant 0 : i32
      %dma_start3A_61 = tpu.memref_slice %arg3[%add3A, %dma_start3A_59, %dma_start3A_60] : memref<32x2x64xi32, #tpu.memory_space<hbm>> -> memref<1x2x64xi32, #tpu.memory_space<hbm>>
      %dma_start3A_62 = tpu.memref_squeeze %dma_start3A_61 : memref<1x2x64xi32, #tpu.memory_space<hbm>> -> memref<2x64xi32, #tpu.memory_space<hbm>>
      tpu.enqueue_dma source(%dma_start3A_62 : memref<2x64xi32, #tpu.memory_space<hbm>>) target(%arg6 : memref<2x64xi32, #tpu.memory_space<vmem>>) target_semaphore(%run_scoped3A : memref<!tpu.dma_semaphore, #tpu.memory_space<semaphore_mem>>)
      %dma_wait3A_63 = arith.constant 0 : i32
      %dma_wait3A_64 = arith.constant 0 : i32
      %dma_wait3A_65 = tpu.memref_slice %arg3[%add3A, %dma_wait3A_63, %dma_wait3A_64] : memref<32x2x64xi32, #tpu.memory_space<hbm>> -> memref<1x2x64xi32, #tpu.memory_space<hbm>>
      %dma_wait3A_66 = tpu.memref_squeeze %dma_wait3A_65 : memref<1x2x64xi32, #tpu.memory_space<hbm>> -> memref<2x64xi32, #tpu.memory_space<hbm>>
      %dma_wait3A_67 = arith.constant 0 : i32
      %dma_wait3A_68 = arith.constant 0 : i32
      %dma_wait3A_69 = tpu.memref_slice %arg3[%add3A, %dma_wait3A_67, %dma_wait3A_68] : memref<32x2x64xi32, #tpu.memory_space<hbm>> -> memref<1x2x64xi32, #tpu.memory_space<hbm>>
      %dma_wait3A_70 = tpu.memref_squeeze %dma_wait3A_69 : memref<1x2x64xi32, #tpu.memory_space<hbm>> -> memref<2x64xi32, #tpu.memory_space<hbm>>
      tpu.wait_dma2 semaphore(%run_scoped3A : memref<!tpu.dma_semaphore, #tpu.memory_space<semaphore_mem>>) src(%dma_wait3A_70 : memref<2x64xi32, #tpu.memory_space<hbm>>) dst(%arg6 : memref<2x64xi32, #tpu.memory_space<vmem>>)
      tpu.yield
    }) : () -> ()
    "tpu.region"() ({
      %run_scoped3A = tpu.sem_alloc : memref<!tpu.dma_semaphore, #tpu.memory_space<semaphore_mem>>
      %dma_start3A_55 = arith.constant 0 : i32
      %dma_start3A_56 = arith.constant 0 : i32
      %dma_start3A_57 = tpu.memref_slice %arg4[%add3A, %dma_start3A_55, %dma_start3A_56] : memref<32x2x64xi32, #tpu.memory_space<hbm>> -> memref<1x2x64xi32, #tpu.memory_space<hbm>>
      %dma_start3A_58 = tpu.memref_squeeze %dma_start3A_57 : memref<1x2x64xi32, #tpu.memory_space<hbm>> -> memref<2x64xi32, #tpu.memory_space<hbm>>
      %dma_start3A_59 = arith.constant 0 : i32
      %dma_start3A_60 = arith.constant 0 : i32
      %dma_start3A_61 = tpu.memref_slice %arg4[%add3A, %dma_start3A_59, %dma_start3A_60] : memref<32x2x64xi32, #tpu.memory_space<hbm>> -> memref<1x2x64xi32, #tpu.memory_space<hbm>>
      %dma_start3A_62 = tpu.memref_squeeze %dma_start3A_61 : memref<1x2x64xi32, #tpu.memory_space<hbm>> -> memref<2x64xi32, #tpu.memory_space<hbm>>
      tpu.enqueue_dma source(%dma_start3A_62 : memref<2x64xi32, #tpu.memory_space<hbm>>) target(%arg7 : memref<2x64xi32, #tpu.memory_space<vmem>>) target_semaphore(%run_scoped3A : memref<!tpu.dma_semaphore, #tpu.memory_space<semaphore_mem>>)
      %dma_wait3A_63 = arith.constant 0 : i32
      %dma_wait3A_64 = arith.constant 0 : i32
      %dma_wait3A_65 = tpu.memref_slice %arg4[%add3A, %dma_wait3A_63, %dma_wait3A_64] : memref<32x2x64xi32, #tpu.memory_space<hbm>> -> memref<1x2x64xi32, #tpu.memory_space<hbm>>
      %dma_wait3A_66 = tpu.memref_squeeze %dma_wait3A_65 : memref<1x2x64xi32, #tpu.memory_space<hbm>> -> memref<2x64xi32, #tpu.memory_space<hbm>>
      %dma_wait3A_67 = arith.constant 0 : i32
      %dma_wait3A_68 = arith.constant 0 : i32
      %dma_wait3A_69 = tpu.memref_slice %arg4[%add3A, %dma_wait3A_67, %dma_wait3A_68] : memref<32x2x64xi32, #tpu.memory_space<hbm>> -> memref<1x2x64xi32, #tpu.memory_space<hbm>>
      %dma_wait3A_70 = tpu.memref_squeeze %dma_wait3A_69 : memref<1x2x64xi32, #tpu.memory_space<hbm>> -> memref<2x64xi32, #tpu.memory_space<hbm>>
      tpu.wait_dma2 semaphore(%run_scoped3A : memref<!tpu.dma_semaphore, #tpu.memory_space<semaphore_mem>>) src(%dma_wait3A_70 : memref<2x64xi32, #tpu.memory_space<hbm>>) dst(%arg7 : memref<2x64xi32, #tpu.memory_space<vmem>>)
      tpu.yield
    }) : () -> ()
    %dma_start3A = arith.constant 0 : i32
    %dma_start3A_1 = arith.constant 0 : i32
    %dma_start3A_2 = tpu.memref_slice %arg7[%dma_start3A, %dma_start3A_1] : memref<2x64xi32, #tpu.memory_space<vmem>> -> memref<1x64xi32, #tpu.memory_space<vmem>>
    %dma_start3A_3 = tpu.memref_squeeze %dma_start3A_2 : memref<1x64xi32, #tpu.memory_space<vmem>> -> memref<64xi32, #tpu.memory_space<vmem>>
    %dma_start3A_4 = arith.constant 0 : i32
    %dma_start3A_5 = arith.constant 0 : i32
    %dma_start3A_6 = tpu.memref_slice %arg2[%dma_start3A_4, %dma_start3A_5] : memref<2048x1024xf32, #tpu.memory_space<hbm>> -> memref<2048x1024xf32, #tpu.memory_space<hbm>>
    tpu.enqueue_indirect_dma source(%dma_start3A_6 : memref<2048x1024xf32, #tpu.memory_space<hbm>>) target(%arg8 : memref<64x1024xf32, #tpu.memory_space<vmem>>) offsets(%dma_start3A_3 : memref<64xi32, #tpu.memory_space<vmem>>) semaphore(%arg9 : memref<!tpu.dma_semaphore, #tpu.memory_space<semaphore_mem>>)
    %dma_wait3A = arith.constant 0 : i32
    %dma_wait3A_7 = arith.constant 0 : i32
    %dma_wait3A_8 = tpu.memref_slice %arg7[%dma_wait3A, %dma_wait3A_7] : memref<2x64xi32, #tpu.memory_space<vmem>> -> memref<1x64xi32, #tpu.memory_space<vmem>>
    %dma_wait3A_9 = tpu.memref_squeeze %dma_wait3A_8 : memref<1x64xi32, #tpu.memory_space<vmem>> -> memref<64xi32, #tpu.memory_space<vmem>>
    %dma_wait3A_10 = arith.constant 0 : i32
    %dma_wait3A_11 = arith.constant 0 : i32
    %dma_wait3A_12 = tpu.memref_slice %arg2[%dma_wait3A_10, %dma_wait3A_11] : memref<2048x1024xf32, #tpu.memory_space<hbm>> -> memref<2048x1024xf32, #tpu.memory_space<hbm>>
    tpu.wait_indirect_dma semaphore(%arg9 : memref<!tpu.dma_semaphore, #tpu.memory_space<semaphore_mem>>) src(%dma_wait3A_12 : memref<2048x1024xf32, #tpu.memory_space<hbm>>) dst(%arg8 : memref<64x1024xf32, #tpu.memory_space<vmem>>)
    %dma_start3A_13 = arith.constant 0 : i32
    %dma_start3A_14 = arith.constant 0 : i32
    %dma_start3A_15 = tpu.memref_slice %arg6[%dma_start3A_13, %dma_start3A_14] : memref<2x64xi32, #tpu.memory_space<vmem>> -> memref<1x64xi32, #tpu.memory_space<vmem>>
    %dma_start3A_16 = tpu.memref_squeeze %dma_start3A_15 : memref<1x64xi32, #tpu.memory_space<vmem>> -> memref<64xi32, #tpu.memory_space<vmem>>
    %dma_start3A_17 = arith.constant 0 : i32
    %dma_start3A_18 = arith.constant 0 : i32
    %dma_start3A_19 = tpu.memref_slice %arg5[%dma_start3A_17, %dma_start3A_18] : memref<6144x1024xf32, #tpu.memory_space<hbm>> -> memref<6144x1024xf32, #tpu.memory_space<hbm>>
    tpu.enqueue_indirect_dma source(%arg8 : memref<64x1024xf32, #tpu.memory_space<vmem>>) target(%dma_start3A_19 : memref<6144x1024xf32, #tpu.memory_space<hbm>>) offsets(%dma_start3A_16 : memref<64xi32, #tpu.memory_space<vmem>>) semaphore(%arg9 : memref<!tpu.dma_semaphore, #tpu.memory_space<semaphore_mem>>)
    %dma_wait3A_20 = arith.constant 0 : i32
    %dma_wait3A_21 = arith.constant 0 : i32
    %dma_wait3A_22 = tpu.memref_slice %arg6[%dma_wait3A_20, %dma_wait3A_21] : memref<2x64xi32, #tpu.memory_space<vmem>> -> memref<1x64xi32, #tpu.memory_space<vmem>>
    %dma_wait3A_23 = tpu.memref_squeeze %dma_wait3A_22 : memref<1x64xi32, #tpu.memory_space<vmem>> -> memref<64xi32, #tpu.memory_space<vmem>>
    %dma_wait3A_24 = arith.constant 0 : i32
    %dma_wait3A_25 = arith.constant 0 : i32
    %dma_wait3A_26 = tpu.memref_slice %arg5[%dma_wait3A_24, %dma_wait3A_25] : memref<6144x1024xf32, #tpu.memory_space<hbm>> -> memref<6144x1024xf32, #tpu.memory_space<hbm>>
    tpu.wait_indirect_dma semaphore(%arg9 : memref<!tpu.dma_semaphore, #tpu.memory_space<semaphore_mem>>) src(%arg8 : memref<64x1024xf32, #tpu.memory_space<vmem>>) dst(%dma_wait3A_26 : memref<6144x1024xf32, #tpu.memory_space<hbm>>)
    %dma_start3A_27 = arith.constant 1 : i32
    %dma_start3A_28 = arith.constant 0 : i32
    %dma_start3A_29 = tpu.memref_slice %arg7[%dma_start3A_27, %dma_start3A_28] : memref<2x64xi32, #tpu.memory_space<vmem>> -> memref<1x64xi32, #tpu.memory_space<vmem>>
    %dma_start3A_30 = tpu.memref_squeeze %dma_start3A_29 : memref<1x64xi32, #tpu.memory_space<vmem>> -> memref<64xi32, #tpu.memory_space<vmem>>
    %dma_start3A_31 = arith.constant 0 : i32
    %dma_start3A_32 = arith.constant 0 : i32
    %dma_start3A_33 = tpu.memref_slice %arg2[%dma_start3A_31, %dma_start3A_32] : memref<2048x1024xf32, #tpu.memory_space<hbm>> -> memref<2048x1024xf32, #tpu.memory_space<hbm>>
    tpu.enqueue_indirect_dma source(%dma_start3A_33 : memref<2048x1024xf32, #tpu.memory_space<hbm>>) target(%arg8 : memref<64x1024xf32, #tpu.memory_space<vmem>>) offsets(%dma_start3A_30 : memref<64xi32, #tpu.memory_space<vmem>>) semaphore(%arg9 : memref<!tpu.dma_semaphore, #tpu.memory_space<semaphore_mem>>)
    %dma_wait3A_34 = arith.constant 1 : i32
    %dma_wait3A_35 = arith.constant 0 : i32
    %dma_wait3A_36 = tpu.memref_slice %arg7[%dma_wait3A_34, %dma_wait3A_35] : memref<2x64xi32, #tpu.memory_space<vmem>> -> memref<1x64xi32, #tpu.memory_space<vmem>>
    %dma_wait3A_37 = tpu.memref_squeeze %dma_wait3A_36 : memref<1x64xi32, #tpu.memory_space<vmem>> -> memref<64xi32, #tpu.memory_space<vmem>>
    %dma_wait3A_38 = arith.constant 0 : i32
    %dma_wait3A_39 = arith.constant 0 : i32
    %dma_wait3A_40 = tpu.memref_slice %arg2[%dma_wait3A_38, %dma_wait3A_39] : memref<2048x1024xf32, #tpu.memory_space<hbm>> -> memref<2048x1024xf32, #tpu.memory_space<hbm>>
    tpu.wait_indirect_dma semaphore(%arg9 : memref<!tpu.dma_semaphore, #tpu.memory_space<semaphore_mem>>) src(%dma_wait3A_40 : memref<2048x1024xf32, #tpu.memory_space<hbm>>) dst(%arg8 : memref<64x1024xf32, #tpu.memory_space<vmem>>)
    %dma_start3A_41 = arith.constant 1 : i32
    %dma_start3A_42 = arith.constant 0 : i32
    %dma_start3A_43 = tpu.memref_slice %arg6[%dma_start3A_41, %dma_start3A_42] : memref<2x64xi32, #tpu.memory_space<vmem>> -> memref<1x64xi32, #tpu.memory_space<vmem>>
    %dma_start3A_44 = tpu.memref_squeeze %dma_start3A_43 : memref<1x64xi32, #tpu.memory_space<vmem>> -> memref<64xi32, #tpu.memory_space<vmem>>
    %dma_start3A_45 = arith.constant 0 : i32
    %dma_start3A_46 = arith.constant 0 : i32
    %dma_start3A_47 = tpu.memref_slice %arg5[%dma_start3A_45, %dma_start3A_46] : memref<6144x1024xf32, #tpu.memory_space<hbm>> -> memref<6144x1024xf32, #tpu.memory_space<hbm>>
    tpu.enqueue_indirect_dma source(%arg8 : memref<64x1024xf32, #tpu.memory_space<vmem>>) target(%dma_start3A_47 : memref<6144x1024xf32, #tpu.memory_space<hbm>>) offsets(%dma_start3A_44 : memref<64xi32, #tpu.memory_space<vmem>>) semaphore(%arg9 : memref<!tpu.dma_semaphore, #tpu.memory_space<semaphore_mem>>)
    %dma_wait3A_48 = arith.constant 1 : i32
    %dma_wait3A_49 = arith.constant 0 : i32
    %dma_wait3A_50 = tpu.memref_slice %arg6[%dma_wait3A_48, %dma_wait3A_49] : memref<2x64xi32, #tpu.memory_space<vmem>> -> memref<1x64xi32, #tpu.memory_space<vmem>>
    %dma_wait3A_51 = tpu.memref_squeeze %dma_wait3A_50 : memref<1x64xi32, #tpu.memory_space<vmem>> -> memref<64xi32, #tpu.memory_space<vmem>>
    %dma_wait3A_52 = arith.constant 0 : i32
    %dma_wait3A_53 = arith.constant 0 : i32
    %dma_wait3A_54 = tpu.memref_slice %arg5[%dma_wait3A_52, %dma_wait3A_53] : memref<6144x1024xf32, #tpu.memory_space<hbm>> -> memref<6144x1024xf32, #tpu.memory_space<hbm>>
    tpu.wait_indirect_dma semaphore(%arg9 : memref<!tpu.dma_semaphore, #tpu.memory_space<semaphore_mem>>) src(%arg8 : memref<64x1024xf32, #tpu.memory_space<vmem>>) dst(%dma_wait3A_54 : memref<6144x1024xf32, #tpu.memory_space<hbm>>)
    return
  }
}

module attributes {stable_mosaic.version = 14 : i64} {
  func.func @_proj_body(%arg0: i32, %arg1: memref<256x1024xf32, #tpu.memory_space<vmem>>, %arg2: memref<1x1024xf32, #tpu.memory_space<vmem>>, %arg3: memref<1024x1024xf32, #tpu.memory_space<vmem>>, %arg4: memref<1024x512xf32, #tpu.memory_space<vmem>>, %arg5: memref<512x64xf32, #tpu.memory_space<vmem>>, %arg6: memref<512x64xf32, #tpu.memory_space<vmem>>, %arg7: memref<256x1024xbf16, #tpu.memory_space<vmem>>, %arg8: memref<256x64xbf16, #tpu.memory_space<vmem>>, %arg9: memref<256x128xbf16, #tpu.memory_space<vmem>>) attributes {dimension_semantics = [#tpu.dimension_semantics<arbitrary>], iteration_bounds = array<i64: 8>, scalar_prefetch = 0 : i64, scratch_operands = 0 : i64, tpu.core_type = #tpu.core_type<tc>, window_params = [{transform_indices = @transform_0, window_bounds = array<i64: 256, 1024>}, {pipeline_mode = #tpu.pipeline_mode<synchronous>, transform_indices = @transform_1, window_bounds = array<i64: 1, 1024>}, {pipeline_mode = #tpu.pipeline_mode<synchronous>, transform_indices = @transform_2, window_bounds = array<i64: 1024, 1024>}, {pipeline_mode = #tpu.pipeline_mode<synchronous>, transform_indices = @transform_3, window_bounds = array<i64: 1024, 512>}, {pipeline_mode = #tpu.pipeline_mode<synchronous>, transform_indices = @transform_4, window_bounds = array<i64: 512, 64>}, {pipeline_mode = #tpu.pipeline_mode<synchronous>, transform_indices = @transform_5, window_bounds = array<i64: 512, 64>}, {transform_indices = @transform_6, window_bounds = array<i64: 256, 1024>}, {transform_indices = @transform_7, window_bounds = array<i64: 256, 64>}, {transform_indices = @transform_8, window_bounds = array<i64: 256, 128>}]} {
    %get3A = arith.constant 0 : index
    %get3A_0 = arith.constant 0 : index
    %get3A_1 = vector.load %arg1[%get3A, %get3A_0] : memref<256x1024xf32, #tpu.memory_space<vmem>>, vector<256x1024xf32>
    %get3A_2 = arith.constant 0 : index
    %get3A_3 = arith.constant 0 : index
    %get3A_4 = vector.load %arg2[%get3A_2, %get3A_3] : memref<1x1024xf32, #tpu.memory_space<vmem>>, vector<1x1024xf32>
    %mul3A = arith.mulf %get3A_1, %get3A_1 : vector<256x1024xf32>
    %reduce_sum3A = arith.constant dense<0.000000e+00> : vector<256xf32>
    %reduce_sum3A_5 = vector.multi_reduction <add>, %mul3A, %reduce_sum3A [1] : vector<256x1024xf32> to vector<256xf32>
    %broadcast_in_dim3A = vector.shape_cast %reduce_sum3A_5 : vector<256xf32> to vector<256x1xf32>
    %div3A = arith.constant 1.024000e+03 : f32
    %div3A_6 = vector.broadcast %div3A : f32 to vector<256x1xf32>
    %div3A_7 = arith.divf %broadcast_in_dim3A, %div3A_6 : vector<256x1xf32>
    %add3A = arith.constant 9.99999997E-7 : f32
    %add3A_8 = vector.broadcast %add3A : f32 to vector<256x1xf32>
    %add3A_9 = arith.addf %div3A_7, %add3A_8 : vector<256x1xf32>
    %rsqrt3A = math.rsqrt %add3A_9 : vector<256x1xf32>
    %mul3A_10 = vector.broadcast %rsqrt3A : vector<256x1xf32> to vector<256x1024xf32>
    %mul3A_11 = arith.mulf %get3A_1, %mul3A_10 : vector<256x1024xf32>
    %mul3A_12 = vector.broadcast %get3A_4 : vector<1x1024xf32> to vector<256x1024xf32>
    %mul3A_13 = arith.mulf %mul3A_11, %mul3A_12 : vector<256x1024xf32>
    %get3A_14 = arith.constant 0 : index
    %get3A_15 = arith.constant 0 : index
    %get3A_16 = vector.load %arg3[%get3A_14, %get3A_15] : memref<1024x1024xf32, #tpu.memory_space<vmem>>, vector<1024x1024xf32>
    %dot_general3A = arith.constant dense<0.000000e+00> : vector<256x1024xf32>
    %dot_general3A_17 = tpu.matmul %mul3A_13, %get3A_16, %dot_general3A {dimension_numbers = #tpu.dot_dimension_numbers<[1], [0], [0], [1], [0, 0, 1, 1], [], []>, transpose_lhs_hint = false} : vector<256x1024xf32>, vector<1024x1024xf32>, vector<256x1024xf32> -> vector<256x1024xf32>
    %mul3A_18 = arith.constant 1.250000e-01 : f32
    %mul3A_19 = vector.broadcast %mul3A_18 : f32 to vector<256x1024xf32>
    %mul3A_20 = arith.mulf %dot_general3A_17, %mul3A_19 : vector<256x1024xf32>
    %convert_element_type3A = arith.truncf %mul3A_20 : vector<256x1024xf32> to vector<256x1024xbf16>
    %swap3A = arith.constant 0 : index
    %swap3A_21 = arith.constant 0 : index
    %swap3A_22 = vector.load %arg7[%swap3A, %swap3A_21] : memref<256x1024xbf16, #tpu.memory_space<vmem>>, vector<256x1024xbf16>
    tpu.vector_store %arg7[%swap3A, %swap3A_21], %convert_element_type3A {strides = array<i32>} : memref<256x1024xbf16, #tpu.memory_space<vmem>>, vector<256x1024xbf16>,
    %get3A_23 = arith.constant 0 : index
    %get3A_24 = arith.constant 0 : index
    %get3A_25 = vector.load %arg4[%get3A_23, %get3A_24] : memref<1024x512xf32, #tpu.memory_space<vmem>>, vector<1024x512xf32>
    %dot_general3A_26 = arith.constant dense<0.000000e+00> : vector<256x512xf32>
    %dot_general3A_27 = tpu.matmul %mul3A_13, %get3A_25, %dot_general3A_26 {dimension_numbers = #tpu.dot_dimension_numbers<[1], [0], [0], [1], [0, 0, 1, 1], [], []>, transpose_lhs_hint = false} : vector<256x1024xf32>, vector<1024x512xf32>, vector<256x512xf32> -> vector<256x512xf32>
    %get3A_28 = arith.constant 0 : index
    %get3A_29 = arith.constant 0 : index
    %get3A_30 = vector.load %arg5[%get3A_28, %get3A_29] : memref<512x64xf32, #tpu.memory_space<vmem>>, vector<512x64xf32>
    %dot_general3A_31 = arith.constant dense<0.000000e+00> : vector<256x64xf32>
    %dot_general3A_32 = tpu.matmul %dot_general3A_27, %get3A_30, %dot_general3A_31 {dimension_numbers = #tpu.dot_dimension_numbers<[1], [0], [0], [1], [0, 0, 1, 1], [], []>, transpose_lhs_hint = false} : vector<256x512xf32>, vector<512x64xf32>, vector<256x64xf32> -> vector<256x64xf32>
    %convert_element_type3A_33 = arith.truncf %dot_general3A_32 : vector<256x64xf32> to vector<256x64xbf16>
    %swap3A_34 = arith.constant 0 : index
    %swap3A_35 = arith.constant 0 : index
    %swap3A_36 = vector.load %arg8[%swap3A_34, %swap3A_35] : memref<256x64xbf16, #tpu.memory_space<vmem>>, vector<256x64xbf16>
    tpu.vector_store %arg8[%swap3A_34, %swap3A_35], %convert_element_type3A_33 {strides = array<i32>} : memref<256x64xbf16, #tpu.memory_space<vmem>>, vector<256x64xbf16>,
    %get3A_37 = arith.constant 0 : index
    %get3A_38 = arith.constant 0 : index
    %get3A_39 = vector.load %arg6[%get3A_37, %get3A_38] : memref<512x64xf32, #tpu.memory_space<vmem>>, vector<512x64xf32>
    %dot_general3A_40 = arith.constant dense<0.000000e+00> : vector<256x64xf32>
    %dot_general3A_41 = tpu.matmul %dot_general3A_27, %get3A_39, %dot_general3A_40 {dimension_numbers = #tpu.dot_dimension_numbers<[1], [0], [0], [1], [0, 0, 1, 1], [], []>, transpose_lhs_hint = false} : vector<256x512xf32>, vector<512x64xf32>, vector<256x64xf32> -> vector<256x64xf32>
    %broadcast_in_dim3A_42 = arith.constant 1.000000e+00 : f32
    %broadcast_in_dim3A_43 = vector.broadcast %broadcast_in_dim3A_42 : f32 to vector<256x1xf32>
    %broadcast_in_dim3A_44 = arith.constant 0.000000e+00 : f32
    %broadcast_in_dim3A_45 = vector.broadcast %broadcast_in_dim3A_44 : f32 to vector<256x63xf32>
    %concatenate3A = tpu.concatenate %dot_general3A_41, %broadcast_in_dim3A_43, %broadcast_in_dim3A_45 in 1 : vector<256x64xf32>, vector<256x1xf32>, vector<256x63xf32> -> vector<256x128xf32>
    %convert_element_type3A_46 = arith.truncf %concatenate3A : vector<256x128xf32> to vector<256x128xbf16>
    %swap3A_47 = arith.constant 0 : index
    %swap3A_48 = arith.constant 0 : index
    %swap3A_49 = vector.load %arg9[%swap3A_47, %swap3A_48] : memref<256x128xbf16, #tpu.memory_space<vmem>>, vector<256x128xbf16>
    tpu.vector_store %arg9[%swap3A_47, %swap3A_48], %convert_element_type3A_46 {strides = array<i32>} : memref<256x128xbf16, #tpu.memory_space<vmem>>, vector<256x128xbf16>,
    return
  }
  func.func @transform_0(%arg0: i32) -> (i32, i32) {
    %c0_i32 = arith.constant 0 : i32
    %c0_i32_0 = arith.constant 0 : i32
    return %arg0, %c0_i32 : i32, i32
  }
  func.func @transform_1(%arg0: i32) -> (i32, i32) {
    %c0_i32 = arith.constant 0 : i32
    %c0_i32_0 = arith.constant 0 : i32
    %c0_i32_1 = arith.constant 0 : i32
    return %c0_i32, %c0_i32_0 : i32, i32
  }
  func.func @transform_2(%arg0: i32) -> (i32, i32) {
    %c0_i32 = arith.constant 0 : i32
    %c0_i32_0 = arith.constant 0 : i32
    %c0_i32_1 = arith.constant 0 : i32
    return %c0_i32, %c0_i32_0 : i32, i32
  }
  func.func @transform_3(%arg0: i32) -> (i32, i32) {
    %c0_i32 = arith.constant 0 : i32
    %c0_i32_0 = arith.constant 0 : i32
    %c0_i32_1 = arith.constant 0 : i32
    return %c0_i32, %c0_i32_0 : i32, i32
  }
  func.func @transform_4(%arg0: i32) -> (i32, i32) {
    %c0_i32 = arith.constant 0 : i32
    %c0_i32_0 = arith.constant 0 : i32
    %c0_i32_1 = arith.constant 0 : i32
    return %c0_i32, %c0_i32_0 : i32, i32
  }
  func.func @transform_5(%arg0: i32) -> (i32, i32) {
    %c0_i32 = arith.constant 0 : i32
    %c0_i32_0 = arith.constant 0 : i32
    %c0_i32_1 = arith.constant 0 : i32
    return %c0_i32, %c0_i32_0 : i32, i32
  }
  func.func @transform_6(%arg0: i32) -> (i32, i32) {
    %c0_i32 = arith.constant 0 : i32
    %c0_i32_0 = arith.constant 0 : i32
    return %arg0, %c0_i32 : i32, i32
  }
  func.func @transform_7(%arg0: i32) -> (i32, i32) {
    %c0_i32 = arith.constant 0 : i32
    %c0_i32_0 = arith.constant 0 : i32
    return %arg0, %c0_i32 : i32, i32
  }
  func.func @transform_8(%arg0: i32) -> (i32, i32) {
    %c0_i32 = arith.constant 0 : i32
    %c0_i32_0 = arith.constant 0 : i32
    return %arg0, %c0_i32 : i32, i32
  }
}

module attributes {stable_mosaic.version = 14 : i64} {
  func.func @_attn_piece_body(%arg0: i32, %arg1: memref<1x512x64xbf16, #tpu.memory_space<vmem>>, %arg2: memref<64x2048xbf16, #tpu.memory_space<vmem>>, %arg3: memref<2048x128xbf16, #tpu.memory_space<vmem>>, %arg4: memref<1x512x64xbf16, #tpu.memory_space<vmem>>) attributes {dimension_semantics = [#tpu.dimension_semantics<arbitrary>], iteration_bounds = array<i64: 16>, scalar_prefetch = 0 : i64, scratch_operands = 0 : i64, tpu.core_type = #tpu.core_type<tc>, window_params = [{transform_indices = @transform_0, window_bounds = array<i64: 1, 512, 64>}, {pipeline_mode = #tpu.pipeline_mode<synchronous>, transform_indices = @transform_1, window_bounds = array<i64: 64, 2048>}, {pipeline_mode = #tpu.pipeline_mode<synchronous>, transform_indices = @transform_2, window_bounds = array<i64: 2048, 128>}, {transform_indices = @transform_3, window_bounds = array<i64: 1, 512, 64>}]} {
    %get3A = arith.constant 0 : index
    %get3A_0 = arith.constant 0 : index
    %get3A_1 = arith.constant 0 : index
    %get3A_2 = vector.load %arg1[%get3A, %get3A_0, %get3A_1] : memref<1x512x64xbf16, #tpu.memory_space<vmem>>, vector<1x512x64xbf16>
    %get3A_3 = vector.shape_cast %get3A_2 : vector<1x512x64xbf16> to vector<512x64xbf16>
    %get3A_4 = arith.constant 0 : index
    %get3A_5 = arith.constant 0 : index
    %get3A_6 = vector.load %arg2[%get3A_4, %get3A_5] : memref<64x2048xbf16, #tpu.memory_space<vmem>>, vector<64x2048xbf16>
    %dot_general3A = arith.constant dense<0.000000e+00> : vector<512x2048xf32>
    %dot_general3A_7 = tpu.matmul %get3A_3, %get3A_6, %dot_general3A {dimension_numbers = #tpu.dot_dimension_numbers<[1], [0], [0], [1], [0, 0, 1, 1], [], []>, transpose_lhs_hint = false} : vector<512x64xbf16>, vector<64x2048xbf16>, vector<512x2048xf32> -> vector<512x2048xf32>
    %reduce_max3A = arith.constant dense<0xFF800000> : vector<512xf32>
    %reduce_max3A_8 = vector.multi_reduction <maximumf>, %dot_general3A_7, %reduce_max3A [1] : vector<512x2048xf32> to vector<512xf32>
    %broadcast_in_dim3A = vector.shape_cast %reduce_max3A_8 : vector<512xf32> to vector<512x1xf32>
    %iota3A = tpu.iota {dimensions = array<i32: 0>} : vector<512x2048xi32>
    %add3A = arith.constant 1536 : i32
    %add3A_9 = vector.broadcast %add3A : i32 to vector<512x2048xi32>
    %add3A_10 = arith.addi %add3A_9, %iota3A : vector<512x2048xi32>
    %iota3A_11 = tpu.iota {dimensions = array<i32: 1>} : vector<512x2048xi32>
    %sub3A = vector.broadcast %broadcast_in_dim3A : vector<512x1xf32> to vector<512x2048xf32>
    %sub3A_12 = arith.subf %dot_general3A_7, %sub3A : vector<512x2048xf32>
    %exp3A = math.exp %sub3A_12 : vector<512x2048xf32>
    %le3A = arith.cmpi sle, %iota3A_11, %add3A_10 : vector<512x2048xi32>
    %convert_element_type3A = arith.extui %le3A : vector<512x2048xi1> to vector<512x2048xi32>
    %convert_element_type3A_13 = arith.sitofp %convert_element_type3A : vector<512x2048xi32> to vector<512x2048xf32>
    %mul3A = arith.mulf %exp3A, %convert_element_type3A_13 : vector<512x2048xf32>
    %convert_element_type3A_14 = arith.truncf %mul3A : vector<512x2048xf32> to vector<512x2048xbf16>
    %get3A_15 = arith.constant 0 : index
    %get3A_16 = arith.constant 0 : index
    %get3A_17 = vector.load %arg3[%get3A_15, %get3A_16] : memref<2048x128xbf16, #tpu.memory_space<vmem>>, vector<2048x128xbf16>
    %dot_general3A_18 = arith.constant dense<0.000000e+00> : vector<512x128xf32>
    %dot_general3A_19 = tpu.matmul %convert_element_type3A_14, %get3A_17, %dot_general3A_18 {dimension_numbers = #tpu.dot_dimension_numbers<[1], [0], [0], [1], [0, 0, 1, 1], [], []>, transpose_lhs_hint = false} : vector<512x2048xbf16>, vector<2048x128xbf16>, vector<512x128xf32> -> vector<512x128xf32>
    %slice3A = vector.extract_strided_slice %dot_general3A_19 {offsets = [0, 0], sizes = [512, 64], strides = [1, 1]} : vector<512x128xf32> to vector<512x64xf32>
    %slice3A_20 = vector.extract_strided_slice %dot_general3A_19 {offsets = [0, 64], sizes = [512, 1], strides = [1, 1]} : vector<512x128xf32> to vector<512x1xf32>
    %div3A = arith.constant 1.000000e+00 : f32
    %div3A_21 = vector.broadcast %div3A : f32 to vector<512x1xf32>
    %div3A_22 = arith.divf %div3A_21, %slice3A_20 : vector<512x1xf32>
    %mul3A_23 = vector.broadcast %div3A_22 : vector<512x1xf32> to vector<512x64xf32>
    %mul3A_24 = arith.mulf %slice3A, %mul3A_23 : vector<512x64xf32>
    %convert_element_type3A_25 = arith.truncf %mul3A_24 : vector<512x64xf32> to vector<512x64xbf16>
    %swap3A = arith.constant 0 : index
    %swap3A_26 = arith.constant 0 : index
    %swap3A_27 = arith.constant 0 : index
    %swap3A_28 = vector.load %arg4[%swap3A, %swap3A_26, %swap3A_27] : memref<1x512x64xbf16, #tpu.memory_space<vmem>>, vector<1x512x64xbf16>
    %swap3A_29 = vector.shape_cast %swap3A_28 : vector<1x512x64xbf16> to vector<512x64xbf16>
    %swap3A_30 = vector.shape_cast %convert_element_type3A_25 : vector<512x64xbf16> to vector<1x512x64xbf16>
    tpu.vector_store %arg4[%swap3A, %swap3A_26, %swap3A_27], %swap3A_30 {strides = array<i32>} : memref<1x512x64xbf16, #tpu.memory_space<vmem>>, vector<1x512x64xbf16>,
    return
  }
  func.func @transform_0(%arg0: i32) -> (i32, i32, i32) {
    %c3_i32 = arith.constant 3 : i32
    %c0_i32 = arith.constant 0 : i32
    %c0_i32_0 = arith.constant 0 : i32
    return %arg0, %c3_i32, %c0_i32 : i32, i32, i32
  }
  func.func @transform_1(%arg0: i32) -> (i32, i32) {
    %c0_i32 = arith.constant 0 : i32
    %c0_i32_0 = arith.constant 0 : i32
    %c0_i32_1 = arith.constant 0 : i32
    return %c0_i32, %c0_i32_0 : i32, i32
  }
  func.func @transform_2(%arg0: i32) -> (i32, i32) {
    %c0_i32 = arith.constant 0 : i32
    %c0_i32_0 = arith.constant 0 : i32
    %c0_i32_1 = arith.constant 0 : i32
    return %c0_i32, %c0_i32_0 : i32, i32
  }
  func.func @transform_3(%arg0: i32) -> (i32, i32, i32) {
    %c0_i32 = arith.constant 0 : i32
    %c0_i32_0 = arith.constant 0 : i32
    %c0_i32_1 = arith.constant 0 : i32
    return %arg0, %c0_i32, %c0_i32_0 : i32, i32, i32
  }
}

module attributes {stable_mosaic.version = 14 : i64} {
  func.func @_attn_piece_body(%arg0: i32, %arg1: memref<1x512x64xbf16, #tpu.memory_space<vmem>>, %arg2: memref<64x1536xbf16, #tpu.memory_space<vmem>>, %arg3: memref<1536x128xbf16, #tpu.memory_space<vmem>>, %arg4: memref<1x512x64xbf16, #tpu.memory_space<vmem>>) attributes {dimension_semantics = [#tpu.dimension_semantics<arbitrary>], iteration_bounds = array<i64: 16>, scalar_prefetch = 0 : i64, scratch_operands = 0 : i64, tpu.core_type = #tpu.core_type<tc>, window_params = [{transform_indices = @transform_0, window_bounds = array<i64: 1, 512, 64>}, {pipeline_mode = #tpu.pipeline_mode<synchronous>, transform_indices = @transform_1, window_bounds = array<i64: 64, 1536>}, {pipeline_mode = #tpu.pipeline_mode<synchronous>, transform_indices = @transform_2, window_bounds = array<i64: 1536, 128>}, {transform_indices = @transform_3, window_bounds = array<i64: 1, 512, 64>}]} {
    %get3A = arith.constant 0 : index
    %get3A_0 = arith.constant 0 : index
    %get3A_1 = arith.constant 0 : index
    %get3A_2 = vector.load %arg1[%get3A, %get3A_0, %get3A_1] : memref<1x512x64xbf16, #tpu.memory_space<vmem>>, vector<1x512x64xbf16>
    %get3A_3 = vector.shape_cast %get3A_2 : vector<1x512x64xbf16> to vector<512x64xbf16>
    %get3A_4 = arith.constant 0 : index
    %get3A_5 = arith.constant 0 : index
    %get3A_6 = vector.load %arg2[%get3A_4, %get3A_5] : memref<64x1536xbf16, #tpu.memory_space<vmem>>, vector<64x1536xbf16>
    %dot_general3A = arith.constant dense<0.000000e+00> : vector<512x1536xf32>
    %dot_general3A_7 = tpu.matmul %get3A_3, %get3A_6, %dot_general3A {dimension_numbers = #tpu.dot_dimension_numbers<[1], [0], [0], [1], [0, 0, 1, 1], [], []>, transpose_lhs_hint = false} : vector<512x64xbf16>, vector<64x1536xbf16>, vector<512x1536xf32> -> vector<512x1536xf32>
    %reduce_max3A = arith.constant dense<0xFF800000> : vector<512xf32>
    %reduce_max3A_8 = vector.multi_reduction <maximumf>, %dot_general3A_7, %reduce_max3A [1] : vector<512x1536xf32> to vector<512xf32>
    %broadcast_in_dim3A = vector.shape_cast %reduce_max3A_8 : vector<512xf32> to vector<512x1xf32>
    %iota3A = tpu.iota {dimensions = array<i32: 0>} : vector<512x1536xi32>
    %add3A = arith.constant 1024 : i32
    %add3A_9 = vector.broadcast %add3A : i32 to vector<512x1536xi32>
    %add3A_10 = arith.addi %add3A_9, %iota3A : vector<512x1536xi32>
    %iota3A_11 = tpu.iota {dimensions = array<i32: 1>} : vector<512x1536xi32>
    %sub3A = vector.broadcast %broadcast_in_dim3A : vector<512x1xf32> to vector<512x1536xf32>
    %sub3A_12 = arith.subf %dot_general3A_7, %sub3A : vector<512x1536xf32>
    %exp3A = math.exp %sub3A_12 : vector<512x1536xf32>
    %le3A = arith.cmpi sle, %iota3A_11, %add3A_10 : vector<512x1536xi32>
    %convert_element_type3A = arith.extui %le3A : vector<512x1536xi1> to vector<512x1536xi32>
    %convert_element_type3A_13 = arith.sitofp %convert_element_type3A : vector<512x1536xi32> to vector<512x1536xf32>
    %mul3A = arith.mulf %exp3A, %convert_element_type3A_13 : vector<512x1536xf32>
    %convert_element_type3A_14 = arith.truncf %mul3A : vector<512x1536xf32> to vector<512x1536xbf16>
    %get3A_15 = arith.constant 0 : index
    %get3A_16 = arith.constant 0 : index
    %get3A_17 = vector.load %arg3[%get3A_15, %get3A_16] : memref<1536x128xbf16, #tpu.memory_space<vmem>>, vector<1536x128xbf16>
    %dot_general3A_18 = arith.constant dense<0.000000e+00> : vector<512x128xf32>
    %dot_general3A_19 = tpu.matmul %convert_element_type3A_14, %get3A_17, %dot_general3A_18 {dimension_numbers = #tpu.dot_dimension_numbers<[1], [0], [0], [1], [0, 0, 1, 1], [], []>, transpose_lhs_hint = false} : vector<512x1536xbf16>, vector<1536x128xbf16>, vector<512x128xf32> -> vector<512x128xf32>
    %slice3A = vector.extract_strided_slice %dot_general3A_19 {offsets = [0, 0], sizes = [512, 64], strides = [1, 1]} : vector<512x128xf32> to vector<512x64xf32>
    %slice3A_20 = vector.extract_strided_slice %dot_general3A_19 {offsets = [0, 64], sizes = [512, 1], strides = [1, 1]} : vector<512x128xf32> to vector<512x1xf32>
    %div3A = arith.constant 1.000000e+00 : f32
    %div3A_21 = vector.broadcast %div3A : f32 to vector<512x1xf32>
    %div3A_22 = arith.divf %div3A_21, %slice3A_20 : vector<512x1xf32>
    %mul3A_23 = vector.broadcast %div3A_22 : vector<512x1xf32> to vector<512x64xf32>
    %mul3A_24 = arith.mulf %slice3A, %mul3A_23 : vector<512x64xf32>
    %convert_element_type3A_25 = arith.truncf %mul3A_24 : vector<512x64xf32> to vector<512x64xbf16>
    %swap3A = arith.constant 0 : index
    %swap3A_26 = arith.constant 0 : index
    %swap3A_27 = arith.constant 0 : index
    %swap3A_28 = vector.load %arg4[%swap3A, %swap3A_26, %swap3A_27] : memref<1x512x64xbf16, #tpu.memory_space<vmem>>, vector<1x512x64xbf16>
    %swap3A_29 = vector.shape_cast %swap3A_28 : vector<1x512x64xbf16> to vector<512x64xbf16>
    %swap3A_30 = vector.shape_cast %convert_element_type3A_25 : vector<512x64xbf16> to vector<1x512x64xbf16>
    tpu.vector_store %arg4[%swap3A, %swap3A_26, %swap3A_27], %swap3A_30 {strides = array<i32>} : memref<1x512x64xbf16, #tpu.memory_space<vmem>>, vector<1x512x64xbf16>,
    return
  }
  func.func @transform_0(%arg0: i32) -> (i32, i32, i32) {
    %c2_i32 = arith.constant 2 : i32
    %c0_i32 = arith.constant 0 : i32
    %c0_i32_0 = arith.constant 0 : i32
    return %arg0, %c2_i32, %c0_i32 : i32, i32, i32
  }
  func.func @transform_1(%arg0: i32) -> (i32, i32) {
    %c0_i32 = arith.constant 0 : i32
    %c0_i32_0 = arith.constant 0 : i32
    %c0_i32_1 = arith.constant 0 : i32
    return %c0_i32, %c0_i32_0 : i32, i32
  }
  func.func @transform_2(%arg0: i32) -> (i32, i32) {
    %c0_i32 = arith.constant 0 : i32
    %c0_i32_0 = arith.constant 0 : i32
    %c0_i32_1 = arith.constant 0 : i32
    return %c0_i32, %c0_i32_0 : i32, i32
  }
  func.func @transform_3(%arg0: i32) -> (i32, i32, i32) {
    %c0_i32 = arith.constant 0 : i32
    %c0_i32_0 = arith.constant 0 : i32
    %c0_i32_1 = arith.constant 0 : i32
    return %arg0, %c0_i32, %c0_i32_0 : i32, i32, i32
  }
}

module attributes {stable_mosaic.version = 14 : i64} {
  func.func @_attn_piece_body(%arg0: i32, %arg1: memref<1x512x64xbf16, #tpu.memory_space<vmem>>, %arg2: memref<64x1024xbf16, #tpu.memory_space<vmem>>, %arg3: memref<1024x128xbf16, #tpu.memory_space<vmem>>, %arg4: memref<1x512x64xbf16, #tpu.memory_space<vmem>>) attributes {dimension_semantics = [#tpu.dimension_semantics<arbitrary>], iteration_bounds = array<i64: 16>, scalar_prefetch = 0 : i64, scratch_operands = 0 : i64, tpu.core_type = #tpu.core_type<tc>, window_params = [{transform_indices = @transform_0, window_bounds = array<i64: 1, 512, 64>}, {pipeline_mode = #tpu.pipeline_mode<synchronous>, transform_indices = @transform_1, window_bounds = array<i64: 64, 1024>}, {pipeline_mode = #tpu.pipeline_mode<synchronous>, transform_indices = @transform_2, window_bounds = array<i64: 1024, 128>}, {transform_indices = @transform_3, window_bounds = array<i64: 1, 512, 64>}]} {
    %get3A = arith.constant 0 : index
    %get3A_0 = arith.constant 0 : index
    %get3A_1 = arith.constant 0 : index
    %get3A_2 = vector.load %arg1[%get3A, %get3A_0, %get3A_1] : memref<1x512x64xbf16, #tpu.memory_space<vmem>>, vector<1x512x64xbf16>
    %get3A_3 = vector.shape_cast %get3A_2 : vector<1x512x64xbf16> to vector<512x64xbf16>
    %get3A_4 = arith.constant 0 : index
    %get3A_5 = arith.constant 0 : index
    %get3A_6 = vector.load %arg2[%get3A_4, %get3A_5] : memref<64x1024xbf16, #tpu.memory_space<vmem>>, vector<64x1024xbf16>
    %dot_general3A = arith.constant dense<0.000000e+00> : vector<512x1024xf32>
    %dot_general3A_7 = tpu.matmul %get3A_3, %get3A_6, %dot_general3A {dimension_numbers = #tpu.dot_dimension_numbers<[1], [0], [0], [1], [0, 0, 1, 1], [], []>, transpose_lhs_hint = false} : vector<512x64xbf16>, vector<64x1024xbf16>, vector<512x1024xf32> -> vector<512x1024xf32>
    %reduce_max3A = arith.constant dense<0xFF800000> : vector<512xf32>
    %reduce_max3A_8 = vector.multi_reduction <maximumf>, %dot_general3A_7, %reduce_max3A [1] : vector<512x1024xf32> to vector<512xf32>
    %broadcast_in_dim3A = vector.shape_cast %reduce_max3A_8 : vector<512xf32> to vector<512x1xf32>
    %iota3A = tpu.iota {dimensions = array<i32: 0>} : vector<512x1024xi32>
    %add3A = arith.constant 512 : i32
    %add3A_9 = vector.broadcast %add3A : i32 to vector<512x1024xi32>
    %add3A_10 = arith.addi %add3A_9, %iota3A : vector<512x1024xi32>
    %iota3A_11 = tpu.iota {dimensions = array<i32: 1>} : vector<512x1024xi32>
    %sub3A = vector.broadcast %broadcast_in_dim3A : vector<512x1xf32> to vector<512x1024xf32>
    %sub3A_12 = arith.subf %dot_general3A_7, %sub3A : vector<512x1024xf32>
    %exp3A = math.exp %sub3A_12 : vector<512x1024xf32>
    %le3A = arith.cmpi sle, %iota3A_11, %add3A_10 : vector<512x1024xi32>
    %convert_element_type3A = arith.extui %le3A : vector<512x1024xi1> to vector<512x1024xi32>
    %convert_element_type3A_13 = arith.sitofp %convert_element_type3A : vector<512x1024xi32> to vector<512x1024xf32>
    %mul3A = arith.mulf %exp3A, %convert_element_type3A_13 : vector<512x1024xf32>
    %convert_element_type3A_14 = arith.truncf %mul3A : vector<512x1024xf32> to vector<512x1024xbf16>
    %get3A_15 = arith.constant 0 : index
    %get3A_16 = arith.constant 0 : index
    %get3A_17 = vector.load %arg3[%get3A_15, %get3A_16] : memref<1024x128xbf16, #tpu.memory_space<vmem>>, vector<1024x128xbf16>
    %dot_general3A_18 = arith.constant dense<0.000000e+00> : vector<512x128xf32>
    %dot_general3A_19 = tpu.matmul %convert_element_type3A_14, %get3A_17, %dot_general3A_18 {dimension_numbers = #tpu.dot_dimension_numbers<[1], [0], [0], [1], [0, 0, 1, 1], [], []>, transpose_lhs_hint = false} : vector<512x1024xbf16>, vector<1024x128xbf16>, vector<512x128xf32> -> vector<512x128xf32>
    %slice3A = vector.extract_strided_slice %dot_general3A_19 {offsets = [0, 0], sizes = [512, 64], strides = [1, 1]} : vector<512x128xf32> to vector<512x64xf32>
    %slice3A_20 = vector.extract_strided_slice %dot_general3A_19 {offsets = [0, 64], sizes = [512, 1], strides = [1, 1]} : vector<512x128xf32> to vector<512x1xf32>
    %div3A = arith.constant 1.000000e+00 : f32
    %div3A_21 = vector.broadcast %div3A : f32 to vector<512x1xf32>
    %div3A_22 = arith.divf %div3A_21, %slice3A_20 : vector<512x1xf32>
    %mul3A_23 = vector.broadcast %div3A_22 : vector<512x1xf32> to vector<512x64xf32>
    %mul3A_24 = arith.mulf %slice3A, %mul3A_23 : vector<512x64xf32>
    %convert_element_type3A_25 = arith.truncf %mul3A_24 : vector<512x64xf32> to vector<512x64xbf16>
    %swap3A = arith.constant 0 : index
    %swap3A_26 = arith.constant 0 : index
    %swap3A_27 = arith.constant 0 : index
    %swap3A_28 = vector.load %arg4[%swap3A, %swap3A_26, %swap3A_27] : memref<1x512x64xbf16, #tpu.memory_space<vmem>>, vector<1x512x64xbf16>
    %swap3A_29 = vector.shape_cast %swap3A_28 : vector<1x512x64xbf16> to vector<512x64xbf16>
    %swap3A_30 = vector.shape_cast %convert_element_type3A_25 : vector<512x64xbf16> to vector<1x512x64xbf16>
    tpu.vector_store %arg4[%swap3A, %swap3A_26, %swap3A_27], %swap3A_30 {strides = array<i32>} : memref<1x512x64xbf16, #tpu.memory_space<vmem>>, vector<1x512x64xbf16>,
    return
  }
  func.func @transform_0(%arg0: i32) -> (i32, i32, i32) {
    %c1_i32 = arith.constant 1 : i32
    %c0_i32 = arith.constant 0 : i32
    %c0_i32_0 = arith.constant 0 : i32
    return %arg0, %c1_i32, %c0_i32 : i32, i32, i32
  }
  func.func @transform_1(%arg0: i32) -> (i32, i32) {
    %c0_i32 = arith.constant 0 : i32
    %c0_i32_0 = arith.constant 0 : i32
    %c0_i32_1 = arith.constant 0 : i32
    return %c0_i32, %c0_i32_0 : i32, i32
  }
  func.func @transform_2(%arg0: i32) -> (i32, i32) {
    %c0_i32 = arith.constant 0 : i32
    %c0_i32_0 = arith.constant 0 : i32
    %c0_i32_1 = arith.constant 0 : i32
    return %c0_i32, %c0_i32_0 : i32, i32
  }
  func.func @transform_3(%arg0: i32) -> (i32, i32, i32) {
    %c0_i32 = arith.constant 0 : i32
    %c0_i32_0 = arith.constant 0 : i32
    %c0_i32_1 = arith.constant 0 : i32
    return %arg0, %c0_i32, %c0_i32_0 : i32, i32, i32
  }
}

module attributes {stable_mosaic.version = 14 : i64} {
  func.func @_attn_piece_body(%arg0: i32, %arg1: memref<1x512x64xbf16, #tpu.memory_space<vmem>>, %arg2: memref<64x512xbf16, #tpu.memory_space<vmem>>, %arg3: memref<512x128xbf16, #tpu.memory_space<vmem>>, %arg4: memref<1x512x64xbf16, #tpu.memory_space<vmem>>) attributes {dimension_semantics = [#tpu.dimension_semantics<arbitrary>], iteration_bounds = array<i64: 16>, scalar_prefetch = 0 : i64, scratch_operands = 0 : i64, tpu.core_type = #tpu.core_type<tc>, window_params = [{transform_indices = @transform_0, window_bounds = array<i64: 1, 512, 64>}, {pipeline_mode = #tpu.pipeline_mode<synchronous>, transform_indices = @transform_1, window_bounds = array<i64: 64, 512>}, {pipeline_mode = #tpu.pipeline_mode<synchronous>, transform_indices = @transform_2, window_bounds = array<i64: 512, 128>}, {transform_indices = @transform_3, window_bounds = array<i64: 1, 512, 64>}]} {
    %get3A = arith.constant 0 : index
    %get3A_0 = arith.constant 0 : index
    %get3A_1 = arith.constant 0 : index
    %get3A_2 = vector.load %arg1[%get3A, %get3A_0, %get3A_1] : memref<1x512x64xbf16, #tpu.memory_space<vmem>>, vector<1x512x64xbf16>
    %get3A_3 = vector.shape_cast %get3A_2 : vector<1x512x64xbf16> to vector<512x64xbf16>
    %get3A_4 = arith.constant 0 : index
    %get3A_5 = arith.constant 0 : index
    %get3A_6 = vector.load %arg2[%get3A_4, %get3A_5] : memref<64x512xbf16, #tpu.memory_space<vmem>>, vector<64x512xbf16>
    %dot_general3A = arith.constant dense<0.000000e+00> : vector<512x512xf32>
    %dot_general3A_7 = tpu.matmul %get3A_3, %get3A_6, %dot_general3A {dimension_numbers = #tpu.dot_dimension_numbers<[1], [0], [0], [1], [0, 0, 1, 1], [], []>, transpose_lhs_hint = false} : vector<512x64xbf16>, vector<64x512xbf16>, vector<512x512xf32> -> vector<512x512xf32>
    %reduce_max3A = arith.constant dense<0xFF800000> : vector<512xf32>
    %reduce_max3A_8 = vector.multi_reduction <maximumf>, %dot_general3A_7, %reduce_max3A [1] : vector<512x512xf32> to vector<512xf32>
    %broadcast_in_dim3A = vector.shape_cast %reduce_max3A_8 : vector<512xf32> to vector<512x1xf32>
    %iota3A = tpu.iota {dimensions = array<i32: 0>} : vector<512x512xi32>
    %add3A = arith.constant 0 : i32
    %add3A_9 = vector.broadcast %add3A : i32 to vector<512x512xi32>
    %add3A_10 = arith.addi %add3A_9, %iota3A : vector<512x512xi32>
    %iota3A_11 = tpu.iota {dimensions = array<i32: 1>} : vector<512x512xi32>
    %sub3A = vector.broadcast %broadcast_in_dim3A : vector<512x1xf32> to vector<512x512xf32>
    %sub3A_12 = arith.subf %dot_general3A_7, %sub3A : vector<512x512xf32>
    %exp3A = math.exp %sub3A_12 : vector<512x512xf32>
    %le3A = arith.cmpi sle, %iota3A_11, %add3A_10 : vector<512x512xi32>
    %convert_element_type3A = arith.extui %le3A : vector<512x512xi1> to vector<512x512xi32>
    %convert_element_type3A_13 = arith.sitofp %convert_element_type3A : vector<512x512xi32> to vector<512x512xf32>
    %mul3A = arith.mulf %exp3A, %convert_element_type3A_13 : vector<512x512xf32>
    %convert_element_type3A_14 = arith.truncf %mul3A : vector<512x512xf32> to vector<512x512xbf16>
    %get3A_15 = arith.constant 0 : index
    %get3A_16 = arith.constant 0 : index
    %get3A_17 = vector.load %arg3[%get3A_15, %get3A_16] : memref<512x128xbf16, #tpu.memory_space<vmem>>, vector<512x128xbf16>
    %dot_general3A_18 = arith.constant dense<0.000000e+00> : vector<512x128xf32>
    %dot_general3A_19 = tpu.matmul %convert_element_type3A_14, %get3A_17, %dot_general3A_18 {dimension_numbers = #tpu.dot_dimension_numbers<[1], [0], [0], [1], [0, 0, 1, 1], [], []>, transpose_lhs_hint = false} : vector<512x512xbf16>, vector<512x128xbf16>, vector<512x128xf32> -> vector<512x128xf32>
    %slice3A = vector.extract_strided_slice %dot_general3A_19 {offsets = [0, 0], sizes = [512, 64], strides = [1, 1]} : vector<512x128xf32> to vector<512x64xf32>
    %slice3A_20 = vector.extract_strided_slice %dot_general3A_19 {offsets = [0, 64], sizes = [512, 1], strides = [1, 1]} : vector<512x128xf32> to vector<512x1xf32>
    %div3A = arith.constant 1.000000e+00 : f32
    %div3A_21 = vector.broadcast %div3A : f32 to vector<512x1xf32>
    %div3A_22 = arith.divf %div3A_21, %slice3A_20 : vector<512x1xf32>
    %mul3A_23 = vector.broadcast %div3A_22 : vector<512x1xf32> to vector<512x64xf32>
    %mul3A_24 = arith.mulf %slice3A, %mul3A_23 : vector<512x64xf32>
    %convert_element_type3A_25 = arith.truncf %mul3A_24 : vector<512x64xf32> to vector<512x64xbf16>
    %swap3A = arith.constant 0 : index
    %swap3A_26 = arith.constant 0 : index
    %swap3A_27 = arith.constant 0 : index
    %swap3A_28 = vector.load %arg4[%swap3A, %swap3A_26, %swap3A_27] : memref<1x512x64xbf16, #tpu.memory_space<vmem>>, vector<1x512x64xbf16>
    %swap3A_29 = vector.shape_cast %swap3A_28 : vector<1x512x64xbf16> to vector<512x64xbf16>
    %swap3A_30 = vector.shape_cast %convert_element_type3A_25 : vector<512x64xbf16> to vector<1x512x64xbf16>
    tpu.vector_store %arg4[%swap3A, %swap3A_26, %swap3A_27], %swap3A_30 {strides = array<i32>} : memref<1x512x64xbf16, #tpu.memory_space<vmem>>, vector<1x512x64xbf16>,
    return
  }
  func.func @transform_0(%arg0: i32) -> (i32, i32, i32) {
    %c0_i32 = arith.constant 0 : i32
    %c0_i32_0 = arith.constant 0 : i32
    %c0_i32_1 = arith.constant 0 : i32
    return %arg0, %c0_i32, %c0_i32_0 : i32, i32, i32
  }
  func.func @transform_1(%arg0: i32) -> (i32, i32) {
    %c0_i32 = arith.constant 0 : i32
    %c0_i32_0 = arith.constant 0 : i32
    %c0_i32_1 = arith.constant 0 : i32
    return %c0_i32, %c0_i32_0 : i32, i32
  }
  func.func @transform_2(%arg0: i32) -> (i32, i32) {
    %c0_i32 = arith.constant 0 : i32
    %c0_i32_0 = arith.constant 0 : i32
    %c0_i32_1 = arith.constant 0 : i32
    return %c0_i32, %c0_i32_0 : i32, i32
  }
  func.func @transform_3(%arg0: i32) -> (i32, i32, i32) {
    %c0_i32 = arith.constant 0 : i32
    %c0_i32_0 = arith.constant 0 : i32
    %c0_i32_1 = arith.constant 0 : i32
    return %arg0, %c0_i32, %c0_i32_0 : i32, i32, i32
  }
}

module attributes {stable_mosaic.version = 14 : i64} {
  func.func @_post_body(%arg0: i32, %arg1: memref<256x1024xf32, #tpu.memory_space<vmem>>, %arg2: memref<256x1024xbf16, #tpu.memory_space<vmem>>, %arg3: memref<1024x1024xf32, #tpu.memory_space<vmem>>, %arg4: memref<1x1024xf32, #tpu.memory_space<vmem>>, %arg5: memref<1024x8xf32, #tpu.memory_space<vmem>>, %arg6: memref<1x8xf32, #tpu.memory_space<vmem>>, %arg7: memref<256x1024xf32, #tpu.memory_space<vmem>>, %arg8: memref<256x1024xf32, #tpu.memory_space<vmem>>, %arg9: memref<256x2xi32, #tpu.memory_space<vmem>>, %arg10: memref<256x2xf32, #tpu.memory_space<vmem>>) attributes {dimension_semantics = [#tpu.dimension_semantics<arbitrary>], iteration_bounds = array<i64: 8>, scalar_prefetch = 0 : i64, scratch_operands = 0 : i64, tpu.core_type = #tpu.core_type<tc>, window_params = [{transform_indices = @transform_0, window_bounds = array<i64: 256, 1024>}, {transform_indices = @transform_1, window_bounds = array<i64: 256, 1024>}, {pipeline_mode = #tpu.pipeline_mode<synchronous>, transform_indices = @transform_2, window_bounds = array<i64: 1024, 1024>}, {pipeline_mode = #tpu.pipeline_mode<synchronous>, transform_indices = @transform_3, window_bounds = array<i64: 1, 1024>}, {pipeline_mode = #tpu.pipeline_mode<synchronous>, transform_indices = @transform_4, window_bounds = array<i64: 1024, 8>}, {pipeline_mode = #tpu.pipeline_mode<synchronous>, transform_indices = @transform_5, window_bounds = array<i64: 1, 8>}, {transform_indices = @transform_6, window_bounds = array<i64: 256, 1024>}, {transform_indices = @transform_7, window_bounds = array<i64: 256, 1024>}, {transform_indices = @transform_8, window_bounds = array<i64: 256, 2>}, {transform_indices = @transform_9, window_bounds = array<i64: 256, 2>}]} {
    %get3A = arith.constant 0 : index
    %get3A_0 = arith.constant 0 : index
    %get3A_1 = vector.load %arg1[%get3A, %get3A_0] : memref<256x1024xf32, #tpu.memory_space<vmem>>, vector<256x1024xf32>
    %get3A_2 = arith.constant 0 : index
    %get3A_3 = arith.constant 0 : index
    %get3A_4 = vector.load %arg2[%get3A_2, %get3A_3] : memref<256x1024xbf16, #tpu.memory_space<vmem>>, vector<256x1024xbf16>
    %convert_element_type3A = arith.extf %get3A_4 : vector<256x1024xbf16> to vector<256x1024xf32>
    %get3A_5 = arith.constant 0 : index
    %get3A_6 = arith.constant 0 : index
    %get3A_7 = vector.load %arg3[%get3A_5, %get3A_6] : memref<1024x1024xf32, #tpu.memory_space<vmem>>, vector<1024x1024xf32>
    %dot_general3A = arith.constant dense<0.000000e+00> : vector<256x1024xf32>
    %dot_general3A_8 = tpu.matmul %convert_element_type3A, %get3A_7, %dot_general3A {dimension_numbers = #tpu.dot_dimension_numbers<[1], [0], [0], [1], [0, 0, 1, 1], [], []>, transpose_lhs_hint = false} : vector<256x1024xf32>, vector<1024x1024xf32>, vector<256x1024xf32> -> vector<256x1024xf32>
    %add3A = arith.addf %get3A_1, %dot_general3A_8 : vector<256x1024xf32>
    %swap3A = arith.constant 0 : index
    %swap3A_9 = arith.constant 0 : index
    %swap3A_10 = vector.load %arg7[%swap3A, %swap3A_9] : memref<256x1024xf32, #tpu.memory_space<vmem>>, vector<256x1024xf32>
    tpu.vector_store %arg7[%swap3A, %swap3A_9], %add3A {strides = array<i32>} : memref<256x1024xf32, #tpu.memory_space<vmem>>, vector<256x1024xf32>,
    %get3A_11 = arith.constant 0 : index
    %get3A_12 = arith.constant 0 : index
    %get3A_13 = vector.load %arg4[%get3A_11, %get3A_12] : memref<1x1024xf32, #tpu.memory_space<vmem>>, vector<1x1024xf32>
    %mul3A = arith.mulf %add3A, %add3A : vector<256x1024xf32>
    %reduce_sum3A = arith.constant dense<0.000000e+00> : vector<256xf32>
    %reduce_sum3A_14 = vector.multi_reduction <add>, %mul3A, %reduce_sum3A [1] : vector<256x1024xf32> to vector<256xf32>
    %broadcast_in_dim3A = vector.shape_cast %reduce_sum3A_14 : vector<256xf32> to vector<256x1xf32>
    %div3A = arith.constant 1.024000e+03 : f32
    %div3A_15 = vector.broadcast %div3A : f32 to vector<256x1xf32>
    %div3A_16 = arith.divf %broadcast_in_dim3A, %div3A_15 : vector<256x1xf32>
    %add3A_17 = arith.constant 9.99999997E-7 : f32
    %add3A_18 = vector.broadcast %add3A_17 : f32 to vector<256x1xf32>
    %add3A_19 = arith.addf %div3A_16, %add3A_18 : vector<256x1xf32>
    %rsqrt3A = math.rsqrt %add3A_19 : vector<256x1xf32>
    %mul3A_20 = vector.broadcast %rsqrt3A : vector<256x1xf32> to vector<256x1024xf32>
    %mul3A_21 = arith.mulf %add3A, %mul3A_20 : vector<256x1024xf32>
    %mul3A_22 = vector.broadcast %get3A_13 : vector<1x1024xf32> to vector<256x1024xf32>
    %mul3A_23 = arith.mulf %mul3A_21, %mul3A_22 : vector<256x1024xf32>
    %swap3A_24 = arith.constant 0 : index
    %swap3A_25 = arith.constant 0 : index
    %swap3A_26 = vector.load %arg8[%swap3A_24, %swap3A_25] : memref<256x1024xf32, #tpu.memory_space<vmem>>, vector<256x1024xf32>
    tpu.vector_store %arg8[%swap3A_24, %swap3A_25], %mul3A_23 {strides = array<i32>} : memref<256x1024xf32, #tpu.memory_space<vmem>>, vector<256x1024xf32>,
    %get3A_27 = arith.constant 0 : index
    %get3A_28 = arith.constant 0 : index
    %get3A_29 = vector.load %arg5[%get3A_27, %get3A_28] : memref<1024x8xf32, #tpu.memory_space<vmem>>, vector<1024x8xf32>
    %dot_general3A_30 = arith.constant dense<0.000000e+00> : vector<256x8xf32>
    %dot_general3A_31 = tpu.matmul %mul3A_23, %get3A_29, %dot_general3A_30 {dimension_numbers = #tpu.dot_dimension_numbers<[1], [0], [0], [1], [0, 0, 1, 1], [], []>, transpose_lhs_hint = false} : vector<256x1024xf32>, vector<1024x8xf32>, vector<256x8xf32> -> vector<256x8xf32>
    %mul3A_32 = arith.constant 3.125000e-02 : f32
    %mul3A_33 = vector.broadcast %mul3A_32 : f32 to vector<256x8xf32>
    %mul3A_34 = arith.mulf %dot_general3A_31, %mul3A_33 : vector<256x8xf32>
    %get3A_35 = arith.constant 0 : index
    %get3A_36 = arith.constant 0 : index
    %get3A_37 = vector.load %arg6[%get3A_35, %get3A_36] : memref<1x8xf32, #tpu.memory_space<vmem>>, vector<1x8xf32>
    %add3A_38 = vector.broadcast %get3A_37 : vector<1x8xf32> to vector<256x8xf32>
    %add3A_39 = arith.addf %mul3A_34, %add3A_38 : vector<256x8xf32>
    %iota3A = tpu.iota {dimensions = array<i32: 1>} : vector<256x8xi32>
    %reduce_max3A = arith.constant dense<0xFF800000> : vector<256xf32>
    %reduce_max3A_40 = vector.multi_reduction <maximumf>, %add3A_39, %reduce_max3A [1] : vector<256x8xf32> to vector<256xf32>
    %broadcast_in_dim3A_41 = vector.shape_cast %reduce_max3A_40 : vector<256xf32> to vector<256x1xf32>
    %eq3A = vector.broadcast %broadcast_in_dim3A_41 : vector<256x1xf32> to vector<256x8xf32>
    %eq3A_42 = arith.cmpf oeq, %add3A_39, %eq3A : vector<256x8xf32>
    %jit3A = arith.constant 8 : i32
    %broadcast_in_dim3A_43 = vector.broadcast %jit3A : i32 to vector<256x8xi32>
    %select_n3A = arith.select %eq3A_42, %iota3A, %broadcast_in_dim3A_43 : vector<256x8xi1>, vector<256x8xi32>
    %reduce_min3A = arith.constant dense<2147483647> : vector<256xi32>
    %reduce_min3A_44 = vector.multi_reduction <minsi>, %select_n3A, %reduce_min3A [1] : vector<256x8xi32> to vector<256xi32>
    %broadcast_in_dim3A_45 = vector.shape_cast %reduce_min3A_44 : vector<256xi32> to vector<256x1xi32>
    %eq3A_46 = vector.broadcast %broadcast_in_dim3A_45 : vector<256x1xi32> to vector<256x8xi32>
    %eq3A_47 = arith.cmpi eq, %iota3A, %eq3A_46 : vector<256x8xi32>
    %jit3A_48 = arith.constant 0xFF800000 : f32
    %broadcast_in_dim3A_49 = vector.broadcast %jit3A_48 : f32 to vector<256x8xf32>
    %select_n3A_50 = arith.select %eq3A_47, %broadcast_in_dim3A_49, %add3A_39 : vector<256x8xi1>, vector<256x8xf32>
    %reduce_max3A_51 = arith.constant dense<0xFF800000> : vector<256xf32>
    %reduce_max3A_52 = vector.multi_reduction <maximumf>, %select_n3A_50, %reduce_max3A_51 [1] : vector<256x8xf32> to vector<256xf32>
    %broadcast_in_dim3A_53 = vector.shape_cast %reduce_max3A_52 : vector<256xf32> to vector<256x1xf32>
    %eq3A_54 = vector.broadcast %broadcast_in_dim3A_53 : vector<256x1xf32> to vector<256x8xf32>
    %eq3A_55 = arith.cmpf oeq, %select_n3A_50, %eq3A_54 : vector<256x8xf32>
    %jit3A_56 = arith.constant 8 : i32
    %broadcast_in_dim3A_57 = vector.broadcast %jit3A_56 : i32 to vector<256x8xi32>
    %select_n3A_58 = arith.select %eq3A_55, %iota3A, %broadcast_in_dim3A_57 : vector<256x8xi1>, vector<256x8xi32>
    %reduce_min3A_59 = arith.constant dense<2147483647> : vector<256xi32>
    %reduce_min3A_60 = vector.multi_reduction <minsi>, %select_n3A_58, %reduce_min3A_59 [1] : vector<256x8xi32> to vector<256xi32>
    %broadcast_in_dim3A_61 = vector.shape_cast %reduce_min3A_60 : vector<256xi32> to vector<256x1xi32>
    %eq3A_62 = vector.broadcast %broadcast_in_dim3A_45 : vector<256x1xi32> to vector<256x8xi32>
    %eq3A_63 = arith.cmpi eq, %iota3A, %eq3A_62 : vector<256x8xi32>
    %jit3A_64 = arith.constant 0.000000e+00 : f32
    %broadcast_in_dim3A_65 = vector.broadcast %jit3A_64 : f32 to vector<256x8xf32>
    %select_n3A_66 = arith.select %eq3A_63, %mul3A_34, %broadcast_in_dim3A_65 : vector<256x8xi1>, vector<256x8xf32>
    %reduce_sum3A_67 = arith.constant dense<0.000000e+00> : vector<256xf32>
    %reduce_sum3A_68 = vector.multi_reduction <add>, %select_n3A_66, %reduce_sum3A_67 [1] : vector<256x8xf32> to vector<256xf32>
    %broadcast_in_dim3A_69 = vector.shape_cast %reduce_sum3A_68 : vector<256xf32> to vector<256x1xf32>
    %eq3A_70 = vector.broadcast %broadcast_in_dim3A_61 : vector<256x1xi32> to vector<256x8xi32>
    %eq3A_71 = arith.cmpi eq, %iota3A, %eq3A_70 : vector<256x8xi32>
    %jit3A_72 = arith.constant 0.000000e+00 : f32
    %broadcast_in_dim3A_73 = vector.broadcast %jit3A_72 : f32 to vector<256x8xf32>
    %select_n3A_74 = arith.select %eq3A_71, %mul3A_34, %broadcast_in_dim3A_73 : vector<256x8xi1>, vector<256x8xf32>
    %reduce_sum3A_75 = arith.constant dense<0.000000e+00> : vector<256xf32>
    %reduce_sum3A_76 = vector.multi_reduction <add>, %select_n3A_74, %reduce_sum3A_75 [1] : vector<256x8xf32> to vector<256xf32>
    %broadcast_in_dim3A_77 = vector.shape_cast %reduce_sum3A_76 : vector<256xf32> to vector<256x1xf32>
    %max3A = arith.maximumf %broadcast_in_dim3A_69, %broadcast_in_dim3A_77 : vector<256x1xf32>
    %sub3A = arith.subf %broadcast_in_dim3A_69, %max3A : vector<256x1xf32>
    %exp3A = math.exp %sub3A : vector<256x1xf32>
    %sub3A_78 = arith.subf %broadcast_in_dim3A_77, %max3A : vector<256x1xf32>
    %exp3A_79 = math.exp %sub3A_78 : vector<256x1xf32>
    %add3A_80 = arith.addf %exp3A, %exp3A_79 : vector<256x1xf32>
    %concatenate3A = tpu.concatenate %broadcast_in_dim3A_45, %broadcast_in_dim3A_61 in 1 : vector<256x1xi32>, vector<256x1xi32> -> vector<256x2xi32>
    %swap3A_81 = arith.constant 0 : index
    %swap3A_82 = arith.constant 0 : index
    %swap3A_83 = vector.load %arg9[%swap3A_81, %swap3A_82] : memref<256x2xi32, #tpu.memory_space<vmem>>, vector<256x2xi32>
    tpu.vector_store %arg9[%swap3A_81, %swap3A_82], %concatenate3A {strides = array<i32>} : memref<256x2xi32, #tpu.memory_space<vmem>>, vector<256x2xi32>,
    %div3A_84 = arith.divf %exp3A, %add3A_80 : vector<256x1xf32>
    %div3A_85 = arith.divf %exp3A_79, %add3A_80 : vector<256x1xf32>
    %concatenate3A_86 = tpu.concatenate %div3A_84, %div3A_85 in 1 : vector<256x1xf32>, vector<256x1xf32> -> vector<256x2xf32>
    %swap3A_87 = arith.constant 0 : index
    %swap3A_88 = arith.constant 0 : index
    %swap3A_89 = vector.load %arg10[%swap3A_87, %swap3A_88] : memref<256x2xf32, #tpu.memory_space<vmem>>, vector<256x2xf32>
    tpu.vector_store %arg10[%swap3A_87, %swap3A_88], %concatenate3A_86 {strides = array<i32>} : memref<256x2xf32, #tpu.memory_space<vmem>>, vector<256x2xf32>,
    return
  }
  func.func @transform_0(%arg0: i32) -> (i32, i32) {
    %c0_i32 = arith.constant 0 : i32
    %c0_i32_0 = arith.constant 0 : i32
    return %arg0, %c0_i32 : i32, i32
  }
  func.func @transform_1(%arg0: i32) -> (i32, i32) {
    %c0_i32 = arith.constant 0 : i32
    %c0_i32_0 = arith.constant 0 : i32
    return %arg0, %c0_i32 : i32, i32
  }
  func.func @transform_2(%arg0: i32) -> (i32, i32) {
    %c0_i32 = arith.constant 0 : i32
    %c0_i32_0 = arith.constant 0 : i32
    %c0_i32_1 = arith.constant 0 : i32
    return %c0_i32, %c0_i32_0 : i32, i32
  }
  func.func @transform_3(%arg0: i32) -> (i32, i32) {
    %c0_i32 = arith.constant 0 : i32
    %c0_i32_0 = arith.constant 0 : i32
    %c0_i32_1 = arith.constant 0 : i32
    return %c0_i32, %c0_i32_0 : i32, i32
  }
  func.func @transform_4(%arg0: i32) -> (i32, i32) {
    %c0_i32 = arith.constant 0 : i32
    %c0_i32_0 = arith.constant 0 : i32
    %c0_i32_1 = arith.constant 0 : i32
    return %c0_i32, %c0_i32_0 : i32, i32
  }
  func.func @transform_5(%arg0: i32) -> (i32, i32) {
    %c0_i32 = arith.constant 0 : i32
    %c0_i32_0 = arith.constant 0 : i32
    %c0_i32_1 = arith.constant 0 : i32
    return %c0_i32, %c0_i32_0 : i32, i32
  }
  func.func @transform_6(%arg0: i32) -> (i32, i32) {
    %c0_i32 = arith.constant 0 : i32
    %c0_i32_0 = arith.constant 0 : i32
    return %arg0, %c0_i32 : i32, i32
  }
  func.func @transform_7(%arg0: i32) -> (i32, i32) {
    %c0_i32 = arith.constant 0 : i32
    %c0_i32_0 = arith.constant 0 : i32
    return %arg0, %c0_i32 : i32, i32
  }
  func.func @transform_8(%arg0: i32) -> (i32, i32) {
    %c0_i32 = arith.constant 0 : i32
    %c0_i32_0 = arith.constant 0 : i32
    return %arg0, %c0_i32 : i32, i32
  }
  func.func @transform_9(%arg0: i32) -> (i32, i32) {
    %c0_i32 = arith.constant 0 : i32
    %c0_i32_0 = arith.constant 0 : i32
    return %arg0, %c0_i32 : i32, i32
  }
}

module attributes {stable_mosaic.version = 14 : i64} {
  func.func @_meta_body(%arg0: i32, %arg1: memref<2048x2xi32, #tpu.memory_space<vmem>>, %arg2: memref<2048x2xi32, #tpu.memory_space<vmem>>, %arg3: memref<128x1xi32, #tpu.memory_space<vmem>>, %arg4: memref<128x1xi32, #tpu.memory_space<vmem>>) attributes {dimension_semantics = [#tpu.dimension_semantics<arbitrary>], iteration_bounds = array<i64: 1>, scalar_prefetch = 0 : i64, scratch_operands = 0 : i64, tpu.core_type = #tpu.core_type<tc>, window_params = [{pipeline_mode = #tpu.pipeline_mode<synchronous>, transform_indices = @transform_0, window_bounds = array<i64: 2048, 2>}, {pipeline_mode = #tpu.pipeline_mode<synchronous>, transform_indices = @transform_1, window_bounds = array<i64: 2048, 2>}, {pipeline_mode = #tpu.pipeline_mode<synchronous>, transform_indices = @transform_2, window_bounds = array<i64: 128, 1>}, {pipeline_mode = #tpu.pipeline_mode<synchronous>, transform_indices = @transform_3, window_bounds = array<i64: 128, 1>}]} {
    %get3A = arith.constant 0 : index
    %get3A_0 = arith.constant 0 : index
    %get3A_1 = vector.load %arg1[%get3A, %get3A_0] : memref<2048x2xi32, #tpu.memory_space<vmem>>, vector<2048x2xi32>
    %iota3A = tpu.iota {dimensions = array<i32: 1>} : vector<2048x128xi32>
    %slice3A = vector.extract_strided_slice %get3A_1 {offsets = [0, 0], sizes = [2048, 1], strides = [1, 1]} : vector<2048x2xi32> to vector<2048x1xi32>
    %eq3A = vector.broadcast %slice3A : vector<2048x1xi32> to vector<2048x128xi32>
    %eq3A_2 = arith.cmpi eq, %iota3A, %eq3A : vector<2048x128xi32>
    %convert_element_type3A = arith.extui %eq3A_2 : vector<2048x128xi1> to vector<2048x128xi32>
    %convert_element_type3A_3 = arith.sitofp %convert_element_type3A : vector<2048x128xi32> to vector<2048x128xf32>
    %convert_element_type3A_4 = arith.truncf %convert_element_type3A_3 : vector<2048x128xf32> to vector<2048x128xbf16>
    %slice3A_5 = vector.extract_strided_slice %get3A_1 {offsets = [0, 1], sizes = [2048, 1], strides = [1, 1]} : vector<2048x2xi32> to vector<2048x1xi32>
    %eq3A_6 = vector.broadcast %slice3A_5 : vector<2048x1xi32> to vector<2048x128xi32>
    %eq3A_7 = arith.cmpi eq, %iota3A, %eq3A_6 : vector<2048x128xi32>
    %convert_element_type3A_8 = arith.extui %eq3A_7 : vector<2048x128xi1> to vector<2048x128xi32>
    %convert_element_type3A_9 = arith.sitofp %convert_element_type3A_8 : vector<2048x128xi32> to vector<2048x128xf32>
    %convert_element_type3A_10 = arith.truncf %convert_element_type3A_9 : vector<2048x128xf32> to vector<2048x128xbf16>
    %iota3A_11 = tpu.iota {dimensions = array<i32: 0>} : vector<2048x2048xi32>
    %iota3A_12 = tpu.iota {dimensions = array<i32: 1>} : vector<2048x2048xi32>
    %gt3A = arith.cmpi sgt, %iota3A_11, %iota3A_12 : vector<2048x2048xi32>
    %convert_element_type3A_13 = arith.extui %gt3A : vector<2048x2048xi1> to vector<2048x2048xi32>
    %convert_element_type3A_14 = arith.sitofp %convert_element_type3A_13 : vector<2048x2048xi32> to vector<2048x2048xf32>
    %convert_element_type3A_15 = arith.truncf %convert_element_type3A_14 : vector<2048x2048xf32> to vector<2048x2048xbf16>
    %dot_general3A = arith.constant dense<0.000000e+00> : vector<2048x128xf32>
    %dot_general3A_16 = tpu.matmul %convert_element_type3A_15, %convert_element_type3A_4, %dot_general3A {dimension_numbers = #tpu.dot_dimension_numbers<[1], [0], [0], [1], [0, 0, 1, 1], [], []>, transpose_lhs_hint = false} : vector<2048x2048xbf16>, vector<2048x128xbf16>, vector<2048x128xf32> -> vector<2048x128xf32>
    %dot_general3A_17 = arith.constant dense<0.000000e+00> : vector<2048x128xf32>
    %dot_general3A_18 = tpu.matmul %convert_element_type3A_15, %convert_element_type3A_10, %dot_general3A_17 {dimension_numbers = #tpu.dot_dimension_numbers<[1], [0], [0], [1], [0, 0, 1, 1], [], []>, transpose_lhs_hint = false} : vector<2048x2048xbf16>, vector<2048x128xbf16>, vector<2048x128xf32> -> vector<2048x128xf32>
    %convert_element_type3A_19 = arith.extf %convert_element_type3A_4 : vector<2048x128xbf16> to vector<2048x128xf32>
    %convert_element_type3A_20 = arith.extf %convert_element_type3A_10 : vector<2048x128xbf16> to vector<2048x128xf32>
    %reduce_sum3A = arith.constant dense<0.000000e+00> : vector<128xf32>
    %reduce_sum3A_21 = vector.multi_reduction <add>, %convert_element_type3A_19, %reduce_sum3A [0] : vector<2048x128xf32> to vector<128xf32>
    %broadcast_in_dim3A = vector.shape_cast %reduce_sum3A_21 : vector<128xf32> to vector<1x128xf32>
    %reduce_sum3A_22 = arith.constant dense<0.000000e+00> : vector<128xf32>
    %reduce_sum3A_23 = vector.multi_reduction <add>, %convert_element_type3A_20, %reduce_sum3A_22 [0] : vector<2048x128xf32> to vector<128xf32>
    %broadcast_in_dim3A_24 = vector.shape_cast %reduce_sum3A_23 : vector<128xf32> to vector<1x128xf32>
    %add3A = vector.broadcast %broadcast_in_dim3A : vector<1x128xf32> to vector<2048x128xf32>
    %add3A_25 = arith.addf %dot_general3A_18, %add3A : vector<2048x128xf32>
    %add3A_26 = arith.addf %broadcast_in_dim3A, %broadcast_in_dim3A_24 : vector<1x128xf32>
    %add3A_27 = arith.constant 2.550000e+02 : f32
    %add3A_28 = vector.broadcast %add3A_27 : f32 to vector<1x128xf32>
    %add3A_29 = arith.addf %add3A_26, %add3A_28 : vector<1x128xf32>
    %div3A = arith.constant 2.560000e+02 : f32
    %div3A_30 = vector.broadcast %div3A : f32 to vector<1x128xf32>
    %div3A_31 = arith.divf %add3A_29, %div3A_30 : vector<1x128xf32>
    %floor3A = math.floor %div3A_31 : vector<1x128xf32>
    %iota3A_32 = tpu.iota {dimensions = array<i32: 0>} : vector<128x128xi32>
    %iota3A_33 = tpu.iota {dimensions = array<i32: 1>} : vector<128x128xi32>
    %le3A = arith.cmpi sle, %iota3A_32, %iota3A_33 : vector<128x128xi32>
    %lt3A = arith.constant 8 : i32
    %lt3A_34 = vector.broadcast %lt3A : i32 to vector<128x128xi32>
    %lt3A_35 = arith.cmpi slt, %iota3A_32, %lt3A_34 : vector<128x128xi32>
    %and3A = arith.andi %le3A, %lt3A_35 : vector<128x128xi1>
    %convert_element_type3A_36 = arith.extui %and3A : vector<128x128xi1> to vector<128x128xi32>
    %convert_element_type3A_37 = arith.sitofp %convert_element_type3A_36 : vector<128x128xi32> to vector<128x128xf32>
    %convert_element_type3A_38 = arith.truncf %convert_element_type3A_37 : vector<128x128xf32> to vector<128x128xbf16>
    %convert_element_type3A_39 = arith.truncf %floor3A : vector<1x128xf32> to vector<1x128xbf16>
    %dot_general3A_40 = arith.constant dense<0.000000e+00> : vector<1x128xf32>
    %dot_general3A_41 = tpu.matmul %convert_element_type3A_39, %convert_element_type3A_38, %dot_general3A_40 {dimension_numbers = #tpu.dot_dimension_numbers<[1], [0], [0], [1], [0, 0, 1, 1], [], []>, transpose_lhs_hint = false} : vector<1x128xbf16>, vector<128x128xbf16>, vector<1x128xf32> -> vector<1x128xf32>
    %sub3A = arith.subf %dot_general3A_41, %floor3A : vector<1x128xf32>
    %mul3A = arith.constant 2.560000e+02 : f32
    %mul3A_42 = vector.broadcast %mul3A : f32 to vector<1x128xf32>
    %mul3A_43 = arith.mulf %sub3A, %mul3A_42 : vector<1x128xf32>
    %iota3A_44 = tpu.iota {dimensions = array<i32: 1>} : vector<1x128xi32>
    %convert_element_type3A_45 = arith.sitofp %iota3A_44 : vector<1x128xi32> to vector<1x128xf32>
    %iota3A_46 = tpu.iota {dimensions = array<i32: 0>} : vector<128x1xi32>
    %convert_element_type3A_47 = arith.sitofp %iota3A_46 : vector<128x1xi32> to vector<128x1xf32>
    %convert_element_type3A_48 = arith.truncf %floor3A : vector<1x128xf32> to vector<1x128xbf16>
    %dot_general3A_49 = arith.constant dense<0.000000e+00> : vector<1x128xf32>
    %dot_general3A_50 = tpu.matmul %convert_element_type3A_48, %convert_element_type3A_38, %dot_general3A_49 {dimension_numbers = #tpu.dot_dimension_numbers<[1], [0], [0], [1], [0, 0, 1, 1], [], []>, transpose_lhs_hint = false} : vector<1x128xbf16>, vector<128x128xbf16>, vector<1x128xf32> -> vector<1x128xf32>
    %le3A_51 = vector.broadcast %dot_general3A_50 : vector<1x128xf32> to vector<128x128xf32>
    %le3A_52 = vector.broadcast %convert_element_type3A_47 : vector<128x1xf32> to vector<128x128xf32>
    %le3A_53 = arith.cmpf ole, %le3A_51, %le3A_52 : vector<128x128xf32>
    %lt3A_54 = arith.constant 8.000000e+00 : f32
    %lt3A_55 = vector.broadcast %lt3A_54 : f32 to vector<1x128xf32>
    %lt3A_56 = arith.cmpf olt, %convert_element_type3A_45, %lt3A_55 : vector<1x128xf32>
    %and3A_57 = vector.broadcast %lt3A_56 : vector<1x128xi1> to vector<128x128xi1>
    %and3A_58 = arith.andi %le3A_53, %and3A_57 : vector<128x128xi1>
    %convert_element_type3A_59 = arith.extui %and3A_58 : vector<128x128xi1> to vector<128x128xi32>
    %convert_element_type3A_60 = arith.sitofp %convert_element_type3A_59 : vector<128x128xi32> to vector<128x128xf32>
    %reduce_sum3A_61 = arith.constant dense<0.000000e+00> : vector<128xf32>
    %reduce_sum3A_62 = vector.multi_reduction <add>, %convert_element_type3A_60, %reduce_sum3A_61 [1] : vector<128x128xf32> to vector<128xf32>
    %broadcast_in_dim3A_63 = vector.shape_cast %reduce_sum3A_62 : vector<128xf32> to vector<128x1xf32>
    %lt3A_64 = arith.constant 8.000000e+00 : f32
    %lt3A_65 = vector.broadcast %lt3A_64 : f32 to vector<128x1xf32>
    %lt3A_66 = arith.cmpf olt, %broadcast_in_dim3A_63, %lt3A_65 : vector<128x1xf32>
    %convert_element_type3A_67 = arith.extui %lt3A_66 : vector<128x1xi1> to vector<128x1xi32>
    %convert_element_type3A_68 = arith.sitofp %convert_element_type3A_67 : vector<128x1xi32> to vector<128x1xf32>
    %gt3A_69 = arith.constant 0.000000e+00 : f32
    %gt3A_70 = vector.broadcast %gt3A_69 : f32 to vector<1x128xf32>
    %gt3A_71 = arith.cmpf ogt, %add3A_26, %gt3A_70 : vector<1x128xf32>
    %lt3A_72 = arith.constant 8.000000e+00 : f32
    %lt3A_73 = vector.broadcast %lt3A_72 : f32 to vector<1x128xf32>
    %lt3A_74 = arith.cmpf olt, %convert_element_type3A_45, %lt3A_73 : vector<1x128xf32>
    %and3A_75 = arith.andi %gt3A_71, %lt3A_74 : vector<1x128xi1>
    %jit3A = arith.constant 0.000000e+00 : f32
    %broadcast_in_dim3A_76 = vector.broadcast %jit3A : f32 to vector<1x128xf32>
    %select_n3A = arith.select %and3A_75, %convert_element_type3A_45, %broadcast_in_dim3A_76 : vector<1x128xi1>, vector<1x128xf32>
    %reduce_max3A = arith.constant dense<0xFF800000> : vector<1xf32>
    %reduce_max3A_77 = vector.multi_reduction <maximumf>, %select_n3A, %reduce_max3A [1] : vector<1x128xf32> to vector<1xf32>
    %broadcast_in_dim3A_78 = vector.shape_cast %reduce_max3A_77 : vector<1xf32> to vector<1x1xf32>
    %gt3A_79 = arith.constant 0.000000e+00 : f32
    %gt3A_80 = vector.broadcast %gt3A_79 : f32 to vector<128x1xf32>
    %gt3A_81 = arith.cmpf ogt, %convert_element_type3A_68, %gt3A_80 : vector<128x1xf32>
    %min3A = arith.constant 7.000000e+00 : f32
    %min3A_82 = vector.broadcast %min3A : f32 to vector<128x1xf32>
    %min3A_83 = arith.minimumf %broadcast_in_dim3A_63, %min3A_82 : vector<128x1xf32>
    %broadcast_in_dim3A_84 = vector.shape_cast %broadcast_in_dim3A_78 : vector<1x1xf32> to vector<1x1xf32>
    %broadcast_in_dim3A_85 = vector.broadcast %broadcast_in_dim3A_84 : vector<1x1xf32> to vector<128x1xf32>
    %select_n3A_86 = arith.select %gt3A_81, %min3A_83, %broadcast_in_dim3A_85 : vector<128x1xi1>, vector<128x1xf32>
    %convert_element_type3A_87 = arith.fptosi %select_n3A_86 : vector<128x1xf32> to vector<128x1xi32>
    %swap3A = arith.constant 0 : index
    %swap3A_88 = arith.constant 0 : index
    %swap3A_89 = vector.load %arg3[%swap3A, %swap3A_88] : memref<128x1xi32, #tpu.memory_space<vmem>>, vector<128x1xi32>
    tpu.vector_store %arg3[%swap3A, %swap3A_88], %convert_element_type3A_87 {strides = array<i32>} : memref<128x1xi32, #tpu.memory_space<vmem>>, vector<128x1xi32>,
    %convert_element_type3A_90 = arith.fptosi %convert_element_type3A_68 : vector<128x1xf32> to vector<128x1xi32>
    %swap3A_91 = arith.constant 0 : index
    %swap3A_92 = arith.constant 0 : index
    %swap3A_93 = vector.load %arg4[%swap3A_91, %swap3A_92] : memref<128x1xi32, #tpu.memory_space<vmem>>, vector<128x1xi32>
    tpu.vector_store %arg4[%swap3A_91, %swap3A_92], %convert_element_type3A_90 {strides = array<i32>} : memref<128x1xi32, #tpu.memory_space<vmem>>, vector<128x1xi32>,
    %mul3A_94 = arith.mulf %dot_general3A_16, %convert_element_type3A_19 : vector<2048x128xf32>
    %reduce_sum3A_95 = arith.constant dense<0.000000e+00> : vector<2048xf32>
    %reduce_sum3A_96 = vector.multi_reduction <add>, %mul3A_94, %reduce_sum3A_95 [1] : vector<2048x128xf32> to vector<2048xf32>
    %broadcast_in_dim3A_97 = vector.shape_cast %reduce_sum3A_96 : vector<2048xf32> to vector<2048x1xf32>
    %mul3A_98 = arith.mulf %add3A_25, %convert_element_type3A_20 : vector<2048x128xf32>
    %reduce_sum3A_99 = arith.constant dense<0.000000e+00> : vector<2048xf32>
    %reduce_sum3A_100 = vector.multi_reduction <add>, %mul3A_98, %reduce_sum3A_99 [1] : vector<2048x128xf32> to vector<2048xf32>
    %broadcast_in_dim3A_101 = vector.shape_cast %reduce_sum3A_100 : vector<2048xf32> to vector<2048x1xf32>
    %mul3A_102 = vector.broadcast %mul3A_43 : vector<1x128xf32> to vector<2048x128xf32>
    %mul3A_103 = arith.mulf %mul3A_102, %convert_element_type3A_19 : vector<2048x128xf32>
    %reduce_sum3A_104 = arith.constant dense<0.000000e+00> : vector<2048xf32>
    %reduce_sum3A_105 = vector.multi_reduction <add>, %mul3A_103, %reduce_sum3A_104 [1] : vector<2048x128xf32> to vector<2048xf32>
    %broadcast_in_dim3A_106 = vector.shape_cast %reduce_sum3A_105 : vector<2048xf32> to vector<2048x1xf32>
    %mul3A_107 = vector.broadcast %mul3A_43 : vector<1x128xf32> to vector<2048x128xf32>
    %mul3A_108 = arith.mulf %mul3A_107, %convert_element_type3A_20 : vector<2048x128xf32>
    %reduce_sum3A_109 = arith.constant dense<0.000000e+00> : vector<2048xf32>
    %reduce_sum3A_110 = vector.multi_reduction <add>, %mul3A_108, %reduce_sum3A_109 [1] : vector<2048x128xf32> to vector<2048xf32>
    %broadcast_in_dim3A_111 = vector.shape_cast %reduce_sum3A_110 : vector<2048xf32> to vector<2048x1xf32>
    %add3A_112 = arith.addf %broadcast_in_dim3A_97, %broadcast_in_dim3A_106 : vector<2048x1xf32>
    %convert_element_type3A_113 = arith.fptosi %add3A_112 : vector<2048x1xf32> to vector<2048x1xi32>
    %add3A_114 = arith.addf %broadcast_in_dim3A_101, %broadcast_in_dim3A_111 : vector<2048x1xf32>
    %convert_element_type3A_115 = arith.fptosi %add3A_114 : vector<2048x1xf32> to vector<2048x1xi32>
    %concatenate3A = tpu.concatenate %convert_element_type3A_113, %convert_element_type3A_115 in 1 : vector<2048x1xi32>, vector<2048x1xi32> -> vector<2048x2xi32>
    %swap3A_116 = arith.constant 0 : index
    %swap3A_117 = arith.constant 0 : index
    %swap3A_118 = vector.load %arg2[%swap3A_116, %swap3A_117] : memref<2048x2xi32, #tpu.memory_space<vmem>>, vector<2048x2xi32>
    tpu.vector_store %arg2[%swap3A_116, %swap3A_117], %concatenate3A {strides = array<i32>} : memref<2048x2xi32, #tpu.memory_space<vmem>>, vector<2048x2xi32>,
    return
  }
  func.func @transform_0(%arg0: i32) -> (i32, i32) {
    %c0_i32 = arith.constant 0 : i32
    %c0_i32_0 = arith.constant 0 : i32
    %c0_i32_1 = arith.constant 0 : i32
    return %c0_i32, %c0_i32_0 : i32, i32
  }
  func.func @transform_1(%arg0: i32) -> (i32, i32) {
    %c0_i32 = arith.constant 0 : i32
    %c0_i32_0 = arith.constant 0 : i32
    %c0_i32_1 = arith.constant 0 : i32
    return %c0_i32, %c0_i32_0 : i32, i32
  }
  func.func @transform_2(%arg0: i32) -> (i32, i32) {
    %c0_i32 = arith.constant 0 : i32
    %c0_i32_0 = arith.constant 0 : i32
    %c0_i32_1 = arith.constant 0 : i32
    return %c0_i32, %c0_i32_0 : i32, i32
  }
  func.func @transform_3(%arg0: i32) -> (i32, i32) {
    %c0_i32 = arith.constant 0 : i32
    %c0_i32_0 = arith.constant 0 : i32
    %c0_i32_1 = arith.constant 0 : i32
    return %c0_i32, %c0_i32_0 : i32, i32
  }
}

module attributes {stable_mosaic.version = 14 : i64} {
  func.func @_moe_body(%arg0: i32, %arg1: memref<24xi32, #tpu.memory_space<smem>>, %arg2: memref<24xi32, #tpu.memory_space<smem>>, %arg3: memref<256x1024xf32, #tpu.memory_space<vmem>>, %arg4: memref<1x1024x1024xf32, #tpu.memory_space<vmem>>, %arg5: memref<1x1024x1024xf32, #tpu.memory_space<vmem>>, %arg6: memref<1x1024x1024xf32, #tpu.memory_space<vmem>>, %arg7: memref<256x1024xf32, #tpu.memory_space<vmem>>) attributes {dimension_semantics = [#tpu.dimension_semantics<arbitrary>], iteration_bounds = array<i64: 24>, scalar_prefetch = 2 : i64, scratch_operands = 0 : i64, tpu.core_type = #tpu.core_type<tc>, window_params = [{transform_indices = @transform_0, window_bounds = array<i64: 256, 1024>}, {transform_indices = @transform_1, window_bounds = array<i64: 1, 1024, 1024>}, {transform_indices = @transform_2, window_bounds = array<i64: 1, 1024, 1024>}, {transform_indices = @transform_3, window_bounds = array<i64: 1, 1024, 1024>}, {transform_indices = @transform_4, window_bounds = array<i64: 256, 1024>}]} {
    %get3A = arith.index_cast %arg0 : i32 to index
    %get3A_0 = memref.load %arg2[%get3A] : memref<24xi32, #tpu.memory_space<smem>>
    %ne3A = arith.constant 0 : i32
    %ne3A_1 = arith.cmpi ne, %get3A_0, %ne3A : i32
    %convert_element_type3A = arith.extui %ne3A_1 : i1 to i32
    %cond3A = arith.constant 0 : i32
    %cond3A_2 = arith.cmpi ne, %convert_element_type3A, %cond3A : i32
    scf.if %cond3A_2 {
      %get3A_9 = arith.constant 0 : index
      %get3A_10 = arith.constant 0 : index
      %get3A_11 = vector.load %arg3[%get3A_9, %get3A_10] : memref<256x1024xf32, #tpu.memory_space<vmem>>, vector<256x1024xf32>
      %get3A_12 = arith.constant 0 : index
      %get3A_13 = arith.constant 0 : index
      %get3A_14 = arith.constant 0 : index
      %get3A_15 = vector.load %arg4[%get3A_12, %get3A_13, %get3A_14] : memref<1x1024x1024xf32, #tpu.memory_space<vmem>>, vector<1x1024x1024xf32>
      %get3A_16 = vector.shape_cast %get3A_15 : vector<1x1024x1024xf32> to vector<1024x1024xf32>
      %dot_general3A = arith.constant dense<0.000000e+00> : vector<256x1024xf32>
      %dot_general3A_17 = tpu.matmul %get3A_11, %get3A_16, %dot_general3A {dimension_numbers = #tpu.dot_dimension_numbers<[1], [0], [0], [1], [0, 0, 1, 1], [], []>, transpose_lhs_hint = false} : vector<256x1024xf32>, vector<1024x1024xf32>, vector<256x1024xf32> -> vector<256x1024xf32>
      %get3A_18 = arith.constant 0 : index
      %get3A_19 = arith.constant 0 : index
      %get3A_20 = arith.constant 0 : index
      %get3A_21 = vector.load %arg5[%get3A_18, %get3A_19, %get3A_20] : memref<1x1024x1024xf32, #tpu.memory_space<vmem>>, vector<1x1024x1024xf32>
      %get3A_22 = vector.shape_cast %get3A_21 : vector<1x1024x1024xf32> to vector<1024x1024xf32>
      %dot_general3A_23 = arith.constant dense<0.000000e+00> : vector<256x1024xf32>
      %dot_general3A_24 = tpu.matmul %get3A_11, %get3A_22, %dot_general3A_23 {dimension_numbers = #tpu.dot_dimension_numbers<[1], [0], [0], [1], [0, 0, 1, 1], [], []>, transpose_lhs_hint = false} : vector<256x1024xf32>, vector<1024x1024xf32>, vector<256x1024xf32> -> vector<256x1024xf32>
      %logistic3A = arith.negf %dot_general3A_24 : vector<256x1024xf32>
      %logistic3A_25 = math.exp %logistic3A : vector<256x1024xf32>
      %logistic3A_26 = arith.constant 1.000000e+00 : f32
      %logistic3A_27 = vector.broadcast %logistic3A_26 : f32 to vector<256x1024xf32>
      %logistic3A_28 = arith.addf %logistic3A_27, %logistic3A_25 : vector<256x1024xf32>
      %logistic3A_29 = arith.divf %logistic3A_27, %logistic3A_28 : vector<256x1024xf32>
      %mul3A = arith.mulf %dot_general3A_24, %logistic3A_29 : vector<256x1024xf32>
      %mul3A_30 = arith.mulf %dot_general3A_17, %mul3A : vector<256x1024xf32>
      %get3A_31 = arith.constant 0 : index
      %get3A_32 = arith.constant 0 : index
      %get3A_33 = arith.constant 0 : index
      %get3A_34 = vector.load %arg6[%get3A_31, %get3A_32, %get3A_33] : memref<1x1024x1024xf32, #tpu.memory_space<vmem>>, vector<1x1024x1024xf32>
      %get3A_35 = vector.shape_cast %get3A_34 : vector<1x1024x1024xf32> to vector<1024x1024xf32>
      %dot_general3A_36 = arith.constant dense<0.000000e+00> : vector<256x1024xf32>
      %dot_general3A_37 = tpu.matmul %mul3A_30, %get3A_35, %dot_general3A_36 {dimension_numbers = #tpu.dot_dimension_numbers<[1], [0], [0], [1], [0, 0, 1, 1], [], []>, transpose_lhs_hint = false} : vector<256x1024xf32>, vector<1024x1024xf32>, vector<256x1024xf32> -> vector<256x1024xf32>
      %swap3A = arith.constant 0 : index
      %swap3A_38 = arith.constant 0 : index
      %swap3A_39 = vector.load %arg7[%swap3A, %swap3A_38] : memref<256x1024xf32, #tpu.memory_space<vmem>>, vector<256x1024xf32>
      tpu.vector_store %arg7[%swap3A, %swap3A_38], %dot_general3A_37 {strides = array<i32>} : memref<256x1024xf32, #tpu.memory_space<vmem>>, vector<256x1024xf32>,
    } else {
    }
    %get3A_3 = arith.index_cast %arg0 : i32 to index
    %get3A_4 = memref.load %arg2[%get3A_3] : memref<24xi32, #tpu.memory_space<smem>>
    %eq3A = arith.constant 0 : i32
    %eq3A_5 = arith.cmpi eq, %get3A_4, %eq3A : i32
    %convert_element_type3A_6 = arith.extui %eq3A_5 : i1 to i32
    %cond3A_7 = arith.constant 0 : i32
    %cond3A_8 = arith.cmpi ne, %convert_element_type3A_6, %cond3A_7 : i32
    scf.if %cond3A_8 {
      %broadcast_in_dim3A = arith.constant 0.000000e+00 : f32
      %broadcast_in_dim3A_9 = vector.broadcast %broadcast_in_dim3A : f32 to vector<256x1024xf32>
      %swap3A = arith.constant 0 : index
      %swap3A_10 = arith.constant 0 : index
      %swap3A_11 = vector.load %arg7[%swap3A, %swap3A_10] : memref<256x1024xf32, #tpu.memory_space<vmem>>, vector<256x1024xf32>
      tpu.vector_store %arg7[%swap3A, %swap3A_10], %broadcast_in_dim3A_9 {strides = array<i32>} : memref<256x1024xf32, #tpu.memory_space<vmem>>, vector<256x1024xf32>,
    } else {
    }
    return
  }
  func.func @transform_0(%arg0: i32, %arg1: memref<24xi32, #tpu.memory_space<smem>>, %arg2: memref<24xi32, #tpu.memory_space<smem>>) -> (i32, i32) {
    %c0_i32 = arith.constant 0 : i32
    %c0_i32_0 = arith.constant 0 : i32
    return %arg0, %c0_i32 : i32, i32
  }
  func.func @transform_1(%arg0: i32, %arg1: memref<24xi32, #tpu.memory_space<smem>>, %arg2: memref<24xi32, #tpu.memory_space<smem>>) -> (i32, i32, i32) {
    %get3A = arith.index_cast %arg0 : i32 to index
    %get3A_0 = memref.load %arg1[%get3A] : memref<24xi32, #tpu.memory_space<smem>>
    %c0_i32 = arith.constant 0 : i32
    %c0_i32_1 = arith.constant 0 : i32
    %c0_i32_2 = arith.constant 0 : i32
    return %get3A_0, %c0_i32, %c0_i32_1 : i32, i32, i32
  }
  func.func @transform_2(%arg0: i32, %arg1: memref<24xi32, #tpu.memory_space<smem>>, %arg2: memref<24xi32, #tpu.memory_space<smem>>) -> (i32, i32, i32) {
    %get3A = arith.index_cast %arg0 : i32 to index
    %get3A_0 = memref.load %arg1[%get3A] : memref<24xi32, #tpu.memory_space<smem>>
    %c0_i32 = arith.constant 0 : i32
    %c0_i32_1 = arith.constant 0 : i32
    %c0_i32_2 = arith.constant 0 : i32
    return %get3A_0, %c0_i32, %c0_i32_1 : i32, i32, i32
  }
  func.func @transform_3(%arg0: i32, %arg1: memref<24xi32, #tpu.memory_space<smem>>, %arg2: memref<24xi32, #tpu.memory_space<smem>>) -> (i32, i32, i32) {
    %get3A = arith.index_cast %arg0 : i32 to index
    %get3A_0 = memref.load %arg1[%get3A] : memref<24xi32, #tpu.memory_space<smem>>
    %c0_i32 = arith.constant 0 : i32
    %c0_i32_1 = arith.constant 0 : i32
    %c0_i32_2 = arith.constant 0 : i32
    return %get3A_0, %c0_i32, %c0_i32_1 : i32, i32, i32
  }
  func.func @transform_4(%arg0: i32, %arg1: memref<24xi32, #tpu.memory_space<smem>>, %arg2: memref<24xi32, #tpu.memory_space<smem>>) -> (i32, i32) {
    %c0_i32 = arith.constant 0 : i32
    %c0_i32_0 = arith.constant 0 : i32
    return %arg0, %c0_i32 : i32, i32
  }
}

module attributes {stable_mosaic.version = 14 : i64} {
  func.func @_shared_body(%arg0: i32, %arg1: memref<256x1024xf32, #tpu.memory_space<vmem>>, %arg2: memref<256x1024xf32, #tpu.memory_space<vmem>>, %arg3: memref<1024x2048xf32, #tpu.memory_space<vmem>>, %arg4: memref<1024x2048xf32, #tpu.memory_space<vmem>>, %arg5: memref<2048x1024xf32, #tpu.memory_space<vmem>>, %arg6: memref<256x1024xf32, #tpu.memory_space<vmem>>) attributes {dimension_semantics = [#tpu.dimension_semantics<arbitrary>], iteration_bounds = array<i64: 8>, scalar_prefetch = 0 : i64, scratch_operands = 0 : i64, tpu.core_type = #tpu.core_type<tc>, window_params = [{transform_indices = @transform_0, window_bounds = array<i64: 256, 1024>}, {transform_indices = @transform_1, window_bounds = array<i64: 256, 1024>}, {pipeline_mode = #tpu.pipeline_mode<synchronous>, transform_indices = @transform_2, window_bounds = array<i64: 1024, 2048>}, {pipeline_mode = #tpu.pipeline_mode<synchronous>, transform_indices = @transform_3, window_bounds = array<i64: 1024, 2048>}, {pipeline_mode = #tpu.pipeline_mode<synchronous>, transform_indices = @transform_4, window_bounds = array<i64: 2048, 1024>}, {transform_indices = @transform_5, window_bounds = array<i64: 256, 1024>}]} {
    %get3A = arith.constant 0 : index
    %get3A_0 = arith.constant 0 : index
    %get3A_1 = vector.load %arg2[%get3A, %get3A_0] : memref<256x1024xf32, #tpu.memory_space<vmem>>, vector<256x1024xf32>
    %get3A_2 = arith.constant 0 : index
    %get3A_3 = arith.constant 0 : index
    %get3A_4 = vector.load %arg3[%get3A_2, %get3A_3] : memref<1024x2048xf32, #tpu.memory_space<vmem>>, vector<1024x2048xf32>
    %dot_general3A = arith.constant dense<0.000000e+00> : vector<256x2048xf32>
    %dot_general3A_5 = tpu.matmul %get3A_1, %get3A_4, %dot_general3A {dimension_numbers = #tpu.dot_dimension_numbers<[1], [0], [0], [1], [0, 0, 1, 1], [], []>, transpose_lhs_hint = false} : vector<256x1024xf32>, vector<1024x2048xf32>, vector<256x2048xf32> -> vector<256x2048xf32>
    %get3A_6 = arith.constant 0 : index
    %get3A_7 = arith.constant 0 : index
    %get3A_8 = vector.load %arg4[%get3A_6, %get3A_7] : memref<1024x2048xf32, #tpu.memory_space<vmem>>, vector<1024x2048xf32>
    %dot_general3A_9 = arith.constant dense<0.000000e+00> : vector<256x2048xf32>
    %dot_general3A_10 = tpu.matmul %get3A_1, %get3A_8, %dot_general3A_9 {dimension_numbers = #tpu.dot_dimension_numbers<[1], [0], [0], [1], [0, 0, 1, 1], [], []>, transpose_lhs_hint = false} : vector<256x1024xf32>, vector<1024x2048xf32>, vector<256x2048xf32> -> vector<256x2048xf32>
    %logistic3A = arith.negf %dot_general3A_10 : vector<256x2048xf32>
    %logistic3A_11 = math.exp %logistic3A : vector<256x2048xf32>
    %logistic3A_12 = arith.constant 1.000000e+00 : f32
    %logistic3A_13 = vector.broadcast %logistic3A_12 : f32 to vector<256x2048xf32>
    %logistic3A_14 = arith.addf %logistic3A_13, %logistic3A_11 : vector<256x2048xf32>
    %logistic3A_15 = arith.divf %logistic3A_13, %logistic3A_14 : vector<256x2048xf32>
    %mul3A = arith.mulf %dot_general3A_10, %logistic3A_15 : vector<256x2048xf32>
    %mul3A_16 = arith.mulf %dot_general3A_5, %mul3A : vector<256x2048xf32>
    %get3A_17 = arith.constant 0 : index
    %get3A_18 = arith.constant 0 : index
    %get3A_19 = vector.load %arg5[%get3A_17, %get3A_18] : memref<2048x1024xf32, #tpu.memory_space<vmem>>, vector<2048x1024xf32>
    %dot_general3A_20 = arith.constant dense<0.000000e+00> : vector<256x1024xf32>
    %dot_general3A_21 = tpu.matmul %mul3A_16, %get3A_19, %dot_general3A_20 {dimension_numbers = #tpu.dot_dimension_numbers<[1], [0], [0], [1], [0, 0, 1, 1], [], []>, transpose_lhs_hint = false} : vector<256x2048xf32>, vector<2048x1024xf32>, vector<256x1024xf32> -> vector<256x1024xf32>
    %get3A_22 = arith.constant 0 : index
    %get3A_23 = arith.constant 0 : index
    %get3A_24 = vector.load %arg1[%get3A_22, %get3A_23] : memref<256x1024xf32, #tpu.memory_space<vmem>>, vector<256x1024xf32>
    %add3A = arith.addf %get3A_24, %dot_general3A_21 : vector<256x1024xf32>
    %swap3A = arith.constant 0 : index
    %swap3A_25 = arith.constant 0 : index
    %swap3A_26 = vector.load %arg6[%swap3A, %swap3A_25] : memref<256x1024xf32, #tpu.memory_space<vmem>>, vector<256x1024xf32>
    tpu.vector_store %arg6[%swap3A, %swap3A_25], %add3A {strides = array<i32>} : memref<256x1024xf32, #tpu.memory_space<vmem>>, vector<256x1024xf32>,
    return
  }
  func.func @transform_0(%arg0: i32) -> (i32, i32) {
    %c0_i32 = arith.constant 0 : i32
    %c0_i32_0 = arith.constant 0 : i32
    return %arg0, %c0_i32 : i32, i32
  }
  func.func @transform_1(%arg0: i32) -> (i32, i32) {
    %c0_i32 = arith.constant 0 : i32
    %c0_i32_0 = arith.constant 0 : i32
    return %arg0, %c0_i32 : i32, i32
  }
  func.func @transform_2(%arg0: i32) -> (i32, i32) {
    %c0_i32 = arith.constant 0 : i32
    %c0_i32_0 = arith.constant 0 : i32
    %c0_i32_1 = arith.constant 0 : i32
    return %c0_i32, %c0_i32_0 : i32, i32
  }
  func.func @transform_3(%arg0: i32) -> (i32, i32) {
    %c0_i32 = arith.constant 0 : i32
    %c0_i32_0 = arith.constant 0 : i32
    %c0_i32_1 = arith.constant 0 : i32
    return %c0_i32, %c0_i32_0 : i32, i32
  }
  func.func @transform_4(%arg0: i32) -> (i32, i32) {
    %c0_i32 = arith.constant 0 : i32
    %c0_i32_0 = arith.constant 0 : i32
    %c0_i32_1 = arith.constant 0 : i32
    return %c0_i32, %c0_i32_0 : i32, i32
  }
  func.func @transform_5(%arg0: i32) -> (i32, i32) {
    %c0_i32 = arith.constant 0 : i32
    %c0_i32_0 = arith.constant 0 : i32
    return %arg0, %c0_i32 : i32, i32
  }
}

module attributes {stable_mosaic.version = 14 : i64} {
  func.func @_fin_body(%arg0: i32, %arg1: memref<256x1024xf32, #tpu.memory_space<vmem>>, %arg2: memref<256x1024xf32, #tpu.memory_space<vmem>>, %arg3: memref<256x1024xf32, #tpu.memory_space<vmem>>, %arg4: memref<256x2xf32, #tpu.memory_space<vmem>>, %arg5: memref<256x1024xf32, #tpu.memory_space<vmem>>) attributes {dimension_semantics = [#tpu.dimension_semantics<arbitrary>], iteration_bounds = array<i64: 8>, scalar_prefetch = 0 : i64, scratch_operands = 0 : i64, tpu.core_type = #tpu.core_type<tc>, window_params = [{transform_indices = @transform_0, window_bounds = array<i64: 256, 1024>}, {transform_indices = @transform_1, window_bounds = array<i64: 256, 1024>}, {transform_indices = @transform_2, window_bounds = array<i64: 256, 1024>}, {transform_indices = @transform_3, window_bounds = array<i64: 256, 2>}, {transform_indices = @transform_4, window_bounds = array<i64: 256, 1024>}]} {
    %get3A = arith.constant 0 : index
    %get3A_0 = arith.constant 0 : index
    %get3A_1 = vector.load %arg4[%get3A, %get3A_0] : memref<256x2xf32, #tpu.memory_space<vmem>>, vector<256x2xf32>
    %get3A_2 = arith.constant 0 : index
    %get3A_3 = arith.constant 0 : index
    %get3A_4 = vector.load %arg1[%get3A_2, %get3A_3] : memref<256x1024xf32, #tpu.memory_space<vmem>>, vector<256x1024xf32>
    %slice3A = vector.extract_strided_slice %get3A_1 {offsets = [0, 0], sizes = [256, 1], strides = [1, 1]} : vector<256x2xf32> to vector<256x1xf32>
    %get3A_5 = arith.constant 0 : index
    %get3A_6 = arith.constant 0 : index
    %get3A_7 = vector.load %arg2[%get3A_5, %get3A_6] : memref<256x1024xf32, #tpu.memory_space<vmem>>, vector<256x1024xf32>
    %mul3A = vector.broadcast %slice3A : vector<256x1xf32> to vector<256x1024xf32>
    %mul3A_8 = arith.mulf %mul3A, %get3A_7 : vector<256x1024xf32>
    %add3A = arith.addf %get3A_4, %mul3A_8 : vector<256x1024xf32>
    %slice3A_9 = vector.extract_strided_slice %get3A_1 {offsets = [0, 1], sizes = [256, 1], strides = [1, 1]} : vector<256x2xf32> to vector<256x1xf32>
    %get3A_10 = arith.constant 0 : index
    %get3A_11 = arith.constant 0 : index
    %get3A_12 = vector.load %arg3[%get3A_10, %get3A_11] : memref<256x1024xf32, #tpu.memory_space<vmem>>, vector<256x1024xf32>
    %mul3A_13 = vector.broadcast %slice3A_9 : vector<256x1xf32> to vector<256x1024xf32>
    %mul3A_14 = arith.mulf %mul3A_13, %get3A_12 : vector<256x1024xf32>
    %add3A_15 = arith.addf %add3A, %mul3A_14 : vector<256x1024xf32>
    %swap3A = arith.constant 0 : index
    %swap3A_16 = arith.constant 0 : index
    %swap3A_17 = vector.load %arg5[%swap3A, %swap3A_16] : memref<256x1024xf32, #tpu.memory_space<vmem>>, vector<256x1024xf32>
    tpu.vector_store %arg5[%swap3A, %swap3A_16], %add3A_15 {strides = array<i32>} : memref<256x1024xf32, #tpu.memory_space<vmem>>, vector<256x1024xf32>,
    return
  }
  func.func @transform_0(%arg0: i32) -> (i32, i32) {
    %c0_i32 = arith.constant 0 : i32
    %c0_i32_0 = arith.constant 0 : i32
    return %arg0, %c0_i32 : i32, i32
  }
  func.func @transform_1(%arg0: i32) -> (i32, i32) {
    %c0_i32 = arith.constant 0 : i32
    %c0_i32_0 = arith.constant 0 : i32
    return %arg0, %c0_i32 : i32, i32
  }
  func.func @transform_2(%arg0: i32) -> (i32, i32) {
    %add3A = arith.constant 8 : i32
    %add3A_0 = arith.addi %arg0, %add3A : i32
    %c0_i32 = arith.constant 0 : i32
    %c0_i32_1 = arith.constant 0 : i32
    return %add3A_0, %c0_i32 : i32, i32
  }
  func.func @transform_3(%arg0: i32) -> (i32, i32) {
    %c0_i32 = arith.constant 0 : i32
    %c0_i32_0 = arith.constant 0 : i32
    return %arg0, %c0_i32 : i32, i32
  }
  func.func @transform_4(%arg0: i32) -> (i32, i32) {
    %c0_i32 = arith.constant 0 : i32
    %c0_i32_0 = arith.constant 0 : i32
    return %arg0, %c0_i32 : i32, i32
  }
}

</mosaic_0001>

<sc_bundles>
// kernel: kernel.14.cloned.1.call-start
scs
__scs_entry_jumppad:
0x0: {  	(pc) =	sbr.rel $0x88, $3  }
0x1: {  	(tag) =	ssettag $0x0;
	lr =	simm.s32 $0x1  }
0x2: {  	[smem:$0x3F91] =	sst lr;
	_ =	strace $0xD0000000  }
0x3: {  	_ = 	snop  }
0x4: {  	_ = 	snop  }
0x5: {  	_ = 	snop  }
0x6: {  	_ = 	snop  }
0x7: {  	_ = 	snop  }
__scs_overlays_trampoline_lowered:
0x8: {  	[smem:$0x3FA0] =	sst s0  }
0x9: {  	[smem:$0x3FA1] =	sst s1  }
0xa: {  	[smem:$0x3FA2] =	sst s2  }
0xb: {  	[smem:$0x3FA3] =	sst s3  }
0xc: {  	[smem:$0x3FA4] =	sst s4  }
0xd: {  	[smem:$0x3FA5] =	sst s5  }
0xe: {  	[smem:$0x3FA6] =	sst s6  }
0xf: {  	[smem:$0x3FA7] =	sst s7  }
0x10: {  	[smem:$0x3FA8] =	sst s8  }
0x11: {  	[smem:$0x3FA9] =	sst s9;
	s0 =	simm.s32 @!p0 $0x0  }
0x12: {  	s1 =	sld [smem:$0x3F8F];
	s0 =	simm.s32 @p0 $0x1  }
0x13: {  	[smem:$0x3FAA] =	sst s0;
	s0 =	simm.s32 @!p1 $0x0  }
0x14: {  	s2 =	sld [smem:$0x3F8E];
	s0 =	simm.s32 @p1 $0x1  }
0x15: {  	[smem:$0x3FAB] =	sst s0;
	s0 =	simm.s32 @!p2 $0x0  }
0x16: {  	s3 =	sld [smem:$0x3FDB];
	s0 =	simm.s32 @p2 $0x1  }
0x17: {  	s4 =	simm.s32 $0x1BF5;
	[smem:$0x3FAD] =	sst s0  }
0x18: {  	s0 =	sld [smem:$0x3F90];
	_ =	swait.ge [sflag:s4], $0x0  }
0x19: {  	s7 =	sld [smem:$0x3F91]  }
0x1a: {  	s8 =	sadd.s32 $0xFFFFE003, lr  }
0x1b: {  	s9 =	sadd.s32 $0xFFFFFEF7, lr;
	s5 =	simm.s32 $0xFFFFFFFF;
	p2 =	slt.u32 s8, $0xFFFFF086  }
0x1c: {  	p1 =	slt.u32 s9, $0xF7A;
	s5 =	simm.s32 @!p2 $0x0  }
0x1d: {  	s5 =	simm.s32 @p1 $0x1;
	p0 =	seq.s32 s7, s2  }
0x1e: {  	s7 =	smul.u32 @!p0 $0xF7A, s2;
	p2 =	seq.s32 @!p0 s5, $0x0  }
0x1f: {  	s9 =	smul.u32 $0xF7A, s1;
	s8 =	simm.s32 @!p0 $0x1BF5;
	p2 =	por !p2, p0  }
0x20: {  	[sflag:s8] =	ssyncset.s32 @!p0 $0xFFFFF086;
	s6 =	sadd.s32 @!p0 s3, s7;
	s7 =	simm.s32 @!p0 $0x108  }
0x21: {  	s3 =	sadd.s32 s3, s9;
	s6 =	sadd.s32 @!p0 $0x88, s6;
	s7 =	simm.s32 @p2 $0x1082  }
0x22: {  	[simem:s7], [sflag:s8] =	dma.local @!p0 [hbm:s6], $0xF7A  }
0x23: {  	s9 =	sor.u32 $0xD0000000, s2;
	s6 =	simm.s32 $0x108;
	_ =	swait.ge @!p0 [sflag:s8], $0x0  }
0x24: {  	s3 =	sadd.s32 $0x88, s3;
	s6 =	simm.s32 @!p1 $0x1082;
	[sflag:s4] =	ssyncset.s32 $0xFFFFF086  }
0x25: {  	[simem:s6], [sflag:s4] =	dma.local [hbm:s3], $0xF7A  }
0x26: {  	[smem:$0x3F91] =	sst s1;
	(tag) =	ssettag s2;
	_ =	strace s9  }
0x27: {  	s1 =	sld [smem:$0x3FA1]  }
0x28: {  	s2 =	sld [smem:$0x3FA2]  }
0x29: {  	s4 =	sld [smem:$0x3FA4]  }
0x2a: {  	p0 =	seq.s32 s5, $0x0;
	s5 =	sld [smem:$0x3FA5]  }
0x2b: {  	s6 =	sld [smem:$0x3FA6]  }
0x2c: {  	s7 =	sld [smem:$0x3FA7]  }
0x2d: {  	s3 =	simm.s32 $0x108;
	s8 =	sld [smem:$0x3FA8]  }
0x2e: {  	s3 =	simm.s32 @!p0 $0x1082;
	s9 =	sld [smem:$0x3FA9]  }
0x2f: {  	lr =	sadd.s32 s0, s3;
	s0 =	sld [smem:$0x3FA0]  }
0x30: {  	s3 =	sld [smem:$0x3FA3]  }
0x31: {  	[smem:$0x3FAC] =	sst s10  }
0x32: {  	s10 =	sld [smem:$0x3FAA];
	_ =	sdelay $0x3  }
0x33: {  	p0 =	seq.s32 s10, $0x1;
	s10 =	sld [smem:$0x3FAC];
	_ =	sdelay $0x3  }
0x34: {  	[smem:$0x3FAC] =	sst s10  }
0x35: {  	s10 =	sld [smem:$0x3FAB];
	_ =	sdelay $0x3  }
0x36: {  	p1 =	seq.s32 s10, $0x1;
	s10 =	sld [smem:$0x3FAC];
	_ =	sdelay $0x3  }
0x37: {  	[smem:$0x3FAC] =	sst s10  }
0x38: {  	s10 =	sld [smem:$0x3FAD]  }
0x39: {  	_ = 	snop;
	(pc) =	sbr.ind lr, $3  }
0x3a: {  	_ = 	snop  }
0x3b: {  	_ = 	snop  }
0x3c: {  	p2 =	seq.s32 s10, $0x1;
	s10 =	sld [smem:$0x3FAC]  }
0x3d: {  	_ =	shalt  }
0x3e: {  	_ =	shalt  }
0x3f: {  	_ =	shalt  }
0x40: {  	_ =	shalt  }
0x41: {  	_ =	shalt  }
0x42: {  	_ =	shalt  }
0x43: {  	_ =	shalt  }
0x44: {  	_ =	shalt  }
0x45: {  	_ =	shalt  }
0x46: {  	_ =	shalt  }
0x47: {  	_ =	shalt  }
0x48: {  	_ =	shalt  }
0x49: {  	_ =	shalt  }
0x4a: {  	_ =	shalt  }
0x4b: {  	_ =	shalt  }
0x4c: {  	_ =	shalt  }
0x4d: {  	_ =	shalt  }
0x4e: {  	_ =	shalt  }
0x4f: {  	_ =	shalt  }
0x50: {  	_ =	shalt  }
0x51: {  	_ =	shalt  }
0x52: {  	_ =	shalt  }
0x53: {  	_ =	shalt  }
0x54: {  	_ =	shalt  }
0x55: {  	_ =	shalt  }
0x56: {  	_ =	shalt  }
0x57: {  	_ =	shalt  }
0x58: {  	_ =	shalt  }
0x59: {  	_ =	shalt  }
0x5a: {  	_ =	shalt  }
0x5b: {  	_ =	shalt  }
0x5c: {  	_ =	shalt  }
0x5d: {  	_ =	shalt  }
0x5e: {  	_ =	shalt  }
0x5f: {  	_ =	shalt  }
0x60: {  	_ =	shalt  }
0x61: {  	_ =	shalt  }
0x62: {  	_ =	shalt  }
0x63: {  	_ =	shalt  }
0x64: {  	_ =	shalt  }
0x65: {  	_ =	shalt  }
0x66: {  	_ =	shalt  }
0x67: {  	_ =	shalt  }
0x68: {  	_ =	shalt  }
0x69: {  	_ =	shalt  }
0x6a: {  	_ =	shalt  }
0x6b: {  	_ =	shalt  }
0x6c: {  	_ =	shalt  }
0x6d: {  	_ =	shalt  }
0x6e: {  	_ =	shalt  }
0x6f: {  	_ =	shalt  }
0x70: {  	_ =	shalt  }
0x71: {  	_ =	shalt  }
0x72: {  	_ =	shalt  }
0x73: {  	_ =	shalt  }
0x74: {  	_ =	shalt  }
0x75: {  	_ =	shalt  }
0x76: {  	_ =	shalt  }
0x77: {  	_ =	shalt  }
0x78: {  	_ =	shalt  }
0x79: {  	_ =	shalt  }
0x7a: {  	_ =	shalt  }
0x7b: {  	_ =	shalt  }
0x7c: {  	_ =	shalt  }
0x7d: {  	_ =	shalt  }
0x7e: {  	_ =	shalt  }
0x7f: {  	_ =	shalt  }
0x80: {  	_ =	shalt  }
0x81: {  	_ =	shalt  }
0x82: {  	_ =	shalt  }
0x83: {  	_ =	shalt  }
0x84: {  	_ =	shalt  }
0x85: {  	_ =	shalt  }
0x86: {  	_ =	shalt  }
0x87: {  	_ =	shalt  }
.Lfunc_end0:
.L_simem_size_0:
called_computation_lowered:
.L_overlay_start_0:
0x88: {  	s2 =	sld [smem:$0x3FD9]  }
0x89: {  	s3 =	sld [smem:$0x3FFE];
	_ =	sdelay $0x1  }
0x8a: {  	s1 =	srdreg.scid  }
0x8b: {  	s0 =	sand.u32 $0x1, s1  }
0x8c: {  	s17 =	sshll.u32 s0, $0xA;
	s2 =	sadd.s32 s3, s2  }
0x8d: {  	s2 =	sadd.s32 s2, s17  }
0x8e: {  	[smem:$0x3FB8] =	sst s2  }
0x8f: {  	_ = 	snop  }
0x90: {  	s2 =	sld [smem:$0x3FD0];
	(tm) =	ssettm $0x1  }
0x91: {  	s18 =	sld [smem:$0x3FFB];
	_ =	sdelay $0x3  }
0x92: {  	_ =	strace s18  }
0x93: {  	s3 =	sld [smem:$0x3FFC];
	_ =	sdelay $0x3  }
0x94: {  	_ =	strace s3  }
0x95: {  	s3 =	sld [smem:$0x3FFD];
	_ =	sdelay $0x3  }
0x96: {  	_ =	strace s3  }
0x97: {  	_ =	strace $0x8FFFFFFF  }
0x98: {  	s19 =	sld [smem:$0x3FDB];
	_ =	sdelay $0x1  }
0x99: {  	s4 =	simm.s32 $_scs_section_size  }
0x9a: {  	s5 =	simm.s32 $_size__tile_overlayer_lowered;
	s6 =	simm.s32 $_tile_overlayer_lowered  }
0x9b: {  	s22 =	simm.s32 $0x1BFF;
	s21 =	sshll.u32 s6, $0x1;
	s3 =	sadd.s32 s4, s19  }
0x9c: {  	s7 =	simm.s32 $0x0;
	s20 =	sshll.u32 s5, $0x1;
	s5 =	sadd.s32 s21, s3  }
0x9d: {  	[timem:s7], [sflag:s22] =	dma.local [hbm:s5], s20  }
0x9e: {  	_ =	swait.ge [sflag:s22], s20  }
0x9f: {  	s4 =	ssub.s32 $0x0, s20;
	[sflag:s22] =	ssyncset.done $0x0  }
0xa0: {  	[sflag:s22] =	ssyncadd.s32 s4;
	_ =	sdelay $0x1  }
0xa1: {  	s23 =	simm.s32 $0x1B8B  }
0xa2: {  	_ =	swait.ge [sflag:s23], $0x1  }
0xa3: {  	[sflag:s23] =	ssyncset.done $0x0  }
0xa4: {  	s25 =	simm.s32 $0x1B8E;
	s24 =	sld [smem:$0x3FFE];
	[sflag:s23] =	ssyncadd.s32 $0xFFFFFFFF  }
0xa5: {  	s26 =	simm.s32 $execute0_lowered;
	[smem:$0x3FD2] =	sst s25  }
0xa6: {  	s5 =	sshll.u32 s26, $0x1;
	_ =	strace $0x80000046;
	[dreg:$0x1] =	wrdreg $0xFFFFFFFF  }
0xa7: {  	s28 =	simm.s32 $_size_execute0_lowered;
	s3 =	sadd.s32 s3, s5;
	[dreg:$0x0] =	wrdreg $0x0  }
0xa8: {  	s5 =	sshll.u32 s28, $0x1;
	[dreg:$0x2] =	wrdreg s3  }
0xa9: {  	[dreg:$0x3] =	wrdreg s5  }
0xaa: {  	[dreg:$0x4] =	wrdreg $0xC0  }
0xab: {  	_ =	task [dreg:s7], $0x5FFFF  }
0xac: {  	[dreg:$0x1] =	wrdreg $0xFFFFFFFF  }
0xad: {  	[dreg:$0x0] =	wrdreg $0x60  }
0xae: {  	[dreg:$0x2] =	wrdreg s2  }
0xaf: {  	[dreg:$0x3] =	wrdreg s24  }
0xb0: {  	[dreg:$0x4] =	wrdreg $0x9  }
0xb1: {  	_ =	task.clear_ibuf [dreg:s7], $0x5FFFF;
	_ =	strace $0x90000046  }
0xb2: {  	s29 =	simm.s32 $0x9;
	_ =	strace $0x80000048  }
0xb3: {  	_ =	swait.ge [sflag:s29], $0x1  }
0xb4: {  	[sflag:s29] =	ssyncadd.s32 $0xFFFFFFFF  }
0xb5: {  	_ =	strace $0x90000048  }
0xb6: {  	_ =	sfence  }
0xb7: {  	s30 =	sld [smem:$0x0];
	_ =	sdelay $0x2  }
0xb8: {  	s31 =	sshll.u32 s1, $0xD;
	s1 =	sshrl.u32 s1, $0x2  }
0xb9: {  	s3 =	sand.u32 $0x4000, s31;
	s1 =	sadd.s32 s1, s30  }
0xba: {  	s0 =	sor.u32 s3, s0;
	s1 =	sshll.u32 s1, $0x11  }
0xbb: {  	s0 =	sor.u32 s1, s0  }
0xbc: {  	s0 =	sadd.s32 $0x8F2B, s0  }
0xbd: {  	[sflag:s0] =	ssyncadd.remote.s32 $0x1  }
0xbe: {  	_ =	sfence.sel $0xFFFF  }
0xbf: {  	[dreg:$0x0] =	wrdreg $0xFFFFFFFF;
	(pc) =	sbr.abs _section_cstart, $3  }
0xc0: {  	[dreg:$0x1] =	wrdreg $0xFFFFFFFF  }
0xc1: {  	_ =	task.clear_ibuf [dreg:s7], $0x2FFFF;
	_ =	strace $0x9FFFFFFF  }
0xc2: {  	(tm) =	ssettm $0x7FFFFFFF  }
0xc3: {  	_ =	shalt  }
tec
execute0_lowered:
.L_overlay_start_1:
0x0: {  	(tag) =	ssettag $0x1  }
0x1: {  	s2 =	rddreg [dreg:$0x0]  }
0x2: {  	s0 =	rddreg [dreg:$0x1];
	s1 =	srdreg.scid  }
0x3: {  	s4 =	stileid.u32;
	s3 =	simm.s32 $0x0;
	s28 =	simm.s32 $0x100  }
0x4: {  	s25 =	simm.s32 $0x1;
	s29 =	simm.s32 $0x1200;
	s30 =	simm.s32 $0x1A00  }
0x5: {  	s31 =	simm.s32 $0x2200;
	s1 =	sand.u32 $0x1, s1;
	s4 =	sshll.u32 s4, $0x6  }
0x6: {  	[smem:$0x7FF] =	sst s3;
	s8 =	sadd.s32 $0x1F00, s0;
	s9 =	sadd.s32 $0x2000, s0  }
0x7: {  	s10 =	sadd.s32 $0x2100, s0;
	s5 =	sshll.u32 s1, $0x5;
	_ =	strace $0x80000047  }
0x8: {  	s1 =	ssub.s32 $0x2, s1;
	[dreg:$0x5] =	wrdreg s28;
	s4 =	sor.u32 s5, s4  }
0x9: {  	s7 =	sshrl.u32 s1, $0x1;
	s5 =	sadd.s32 s4, s0;
	s4 =	sadd.s32 $0x1E00, s0  }
0xa: {  	v2 =	vlaneseq.u32;
	s1 =	ssub.s32 s1, s7;
	s7 =	sadd.s32 $0x300, s2;
	s6 =	sadd.s32 $0x1A00, s5  }
0xb: {  	vm0 =	vmmov $0xffff;
	v1 =	vshrl.u32 v2, $0x3;
	s5 =	sadd.s32 $0x1600, s5;
	s11 =	smax.u32 s1, $0x1;
	[dreg:$0x3] =	wrdreg s6  }
0xc: {  	v0 =	vand.u32 $0x7, v2;
	v2 =	vor.u32 $0x8, v2;
	v1 =	vmul.u32 $0x8, v1;
	[dreg:$0x4] =	wrdreg s5;
	s5 =	sadd.s32 $0x100, s2;
	s6 =	sadd.s32 $0x200, s2  }
.LBB2_1:
0xd: {  	s26 =	rddreg [dreg:$0x3];
	s0 =	simm.s32 $0x2  }
0xe: {  	[tilespmem:s3], [sflag:$0x2] =	stream.linear.gather [hbm4b:s26+s3], $0x100, $0x38;
	[tilespmem:$0x10200] =	vst v63  }
0xf: {  	_ =	swait.ge [sflag:s0], $0x100  }
0x10: {  	s24 =	rddreg [dreg:$0x4];
	[sflag:s0] =	ssyncset.done $0x0  }
0x11: {  	s28 =	rddreg [dreg:$0x5];
	[sflag:s0] =	ssyncadd.s32 $0xFFFFFF00  }
0x12: {  	[tilespmem:s28], [sflag:$0x2] =	stream.linear.gather [hbm4b:s24+s3], $0x100, $0x38;
	[tilespmem:$0x10200] =	vst v63  }
0x13: {  	_ =	swait.ge [sflag:s0], $0x100  }
0x14: {  	[sflag:s0] =	ssyncset.done $0x0  }
0x15: {  	[sflag:s0] =	ssyncadd.s32 $0xFFFFFF00  }
0x16: {  	v3 =	vld [tilespmem:$0x100];
	_ =	sdelay $0x4  }
0x17: {  	v4 =	vshll.u32 v3, $0x3  }
0x18: {  	v3 =	vand.u32 $0x7, v3;
	v4 =	vand.u32 $0xFFFFFFC0, v4  }
0x19: {  	v3 =	vor.u32 v3, v4  }
0x1a: {  	v4 =	vperm.xlane v3, v0;
	_ =	sdelay $0x1  }
0x1b: {  	v4 =	vadd.s32 v1, v4;
	_ =	sdelay $0x3  }
0x1c: {  	s26 =	simm.s32 $0x200  }
0x1d: {  	[tilespmem:s26], [sflag:$0x1] =	stream.indirect_vreg.gather [hbm4b:s2+s3], $0x80, v4, vm0, $0xb8;
	[tilespmem:$0x10200] =	vst v63  }
0x1e: {  	s28 =	simm.s32 $0xA00;
	v3 =	vperm.xlane v3, v2  }
0x1f: {  	[tilespmem:s28], [sflag:$0x1] =	stream.indirect_vreg.gather [hbm4b:s5+s3], $0x80, v4, vm0, $0xb8;
	[tilespmem:$0x10200] =	vst v63  }
0x20: {  	v3 =	vadd.s32 v1, v3  }
0x21: {  	[tilespmem:s29], [sflag:$0x1] =	stream.indirect_vreg.gather [hbm4b:s6+s3], $0x80, v4, vm0, $0xb8;
	[tilespmem:$0x10200] =	vst v63  }
0x22: {  	_ = 	snop  }
0x23: {  	[tilespmem:s30], [sflag:$0x1] =	stream.indirect_vreg.gather [hbm4b:s7+s3], $0x80, v4, vm0, $0xb8;
	[tilespmem:$0x10200] =	vst v63  }
0x24: {  	_ = 	snop  }
0x25: {  	[tilespmem:s31], [sflag:$0x1] =	stream.indirect_vreg.gather [hbm4b:s2+s3], $0x80, v3, vm0, $0xb8;
	[tilespmem:$0x10200] =	vst v63  }
0x26: {  	s12 =	simm.s32 $0x2A00  }
0x27: {  	[tilespmem:s12], [sflag:$0x1] =	stream.indirect_vreg.gather [hbm4b:s5+s3], $0x80, v3, vm0, $0xb8;
	[tilespmem:$0x10200] =	vst v63  }
0x28: {  	s13 =	simm.s32 $0x3200  }
0x29: {  	[tilespmem:s13], [sflag:$0x1] =	stream.indirect_vreg.gather [hbm4b:s6+s3], $0x80, v3, vm0, $0xb8;
	[tilespmem:$0x10200] =	vst v63  }
0x2a: {  	s14 =	simm.s32 $0x3A00  }
0x2b: {  	[tilespmem:s14], [sflag:$0x1] =	stream.indirect_vreg.gather [hbm4b:s7+s3], $0x80, v3, vm0, $0xb8;
	[tilespmem:$0x10200] =	vst v63  }
0x2c: {  	v3 =	vld [tilespmem:$0x110];
	_ =	sdelay $0x4  }
0x2d: {  	v49 =	vshll.u32 v3, $0x3  }
0x2e: {  	v3 =	vand.u32 $0x7, v3;
	v4 =	vand.u32 $0xFFFFFFC0, v49  }
0x2f: {  	v3 =	vor.u32 v3, v4  }
0x30: {  	v4 =	vperm.xlane v3, v0;
	_ =	sdelay $0x1  }
0x31: {  	v4 =	vadd.s32 v1, v4;
	_ =	sdelay $0x3  }
0x32: {  	s15 =	simm.s32 $0x4200  }
0x33: {  	[tilespmem:s15], [sflag:$0x1] =	stream.indirect_vreg.gather [hbm4b:s2+s3], $0x80, v4, vm0, $0xb8;
	[tilespmem:$0x10200] =	vst v63  }
0x34: {  	s16 =	simm.s32 $0x4A00;
	v3 =	vperm.xlane v3, v2  }
0x35: {  	[tilespmem:s16], [sflag:$0x1] =	stream.indirect_vreg.gather [hbm4b:s5+s3], $0x80, v4, vm0, $0xb8;
	[tilespmem:$0x10200] =	vst v63  }
0x36: {  	s17 =	simm.s32 $0x5200;
	v3 =	vadd.s32 v1, v3  }
0x37: {  	[tilespmem:s17], [sflag:$0x1] =	stream.indirect_vreg.gather [hbm4b:s6+s3], $0x80, v4, vm0, $0xb8;
	[tilespmem:$0x10200] =	vst v63  }
0x38: {  	s18 =	simm.s32 $0x5A00  }
0x39: {  	[tilespmem:s18], [sflag:$0x1] =	stream.indirect_vreg.gather [hbm4b:s7+s3], $0x80, v4, vm0, $0xb8;
	[tilespmem:$0x10200] =	vst v63  }
0x3a: {  	s19 =	simm.s32 $0x6200  }
0x3b: {  	[tilespmem:s19], [sflag:$0x1] =	stream.indirect_vreg.gather [hbm4b:s2+s3], $0x80, v3, vm0, $0xb8;
	[tilespmem:$0x10200] =	vst v63  }
0x3c: {  	s20 =	simm.s32 $0x6A00  }
0x3d: {  	[tilespmem:s20], [sflag:$0x1] =	stream.indirect_vreg.gather [hbm4b:s5+s3], $0x80, v3, vm0, $0xb8;
	[tilespmem:$0x10200] =	vst v63  }
0x3e: {  	s22 =	simm.s32 $0x7200  }
0x3f: {  	[tilespmem:s22], [sflag:$0x1] =	stream.indirect_vreg.gather [hbm4b:s6+s3], $0x80, v3, vm0, $0xb8;
	[tilespmem:$0x10200] =	vst v63  }
0x40: {  	s23 =	simm.s32 $0x7A00  }
0x41: {  	[tilespmem:s23], [sflag:$0x1] =	stream.indirect_vreg.gather [hbm4b:s7+s3], $0x80, v3, vm0, $0xb8;
	[tilespmem:$0x10200] =	vst v63  }
0x42: {  	v3 =	vld [tilespmem:$0x120];
	_ =	sdelay $0x4  }
0x43: {  	v50 =	vshll.u32 v3, $0x3  }
0x44: {  	v3 =	vand.u32 $0x7, v3;
	v4 =	vand.u32 $0xFFFFFFC0, v50  }
0x45: {  	v3 =	vor.u32 v3, v4  }
0x46: {  	v4 =	vperm.xlane v3, v0;
	_ =	sdelay $0x1  }
0x47: {  	v4 =	vadd.s32 v1, v4;
	_ =	sdelay $0x3  }
0x48: {  	s24 =	simm.s32 $0x8200  }
0x49: {  	[tilespmem:s24], [sflag:$0x1] =	stream.indirect_vreg.gather [hbm4b:s2+s3], $0x80, v4, vm0, $0xb8;
	[tilespmem:$0x10200] =	vst v63  }
0x4a: {  	s26 =	simm.s32 $0x8A00;
	v3 =	vperm.xlane v3, v2  }
0x4b: {  	[tilespmem:s26], [sflag:$0x1] =	stream.indirect_vreg.gather [hbm4b:s5+s3], $0x80, v4, vm0, $0xb8;
	[tilespmem:$0x10200] =	vst v63  }
0x4c: {  	s28 =	simm.s32 $0x9200;
	v3 =	vadd.s32 v1, v3  }
0x4d: {  	[tilespmem:s28], [sflag:$0x1] =	stream.indirect_vreg.gather [hbm4b:s6+s3], $0x80, v4, vm0, $0xb8;
	[tilespmem:$0x10200] =	vst v63  }
0x4e: {  	s12 =	simm.s32 $0x9A00  }
0x4f: {  	[tilespmem:s12], [sflag:$0x1] =	stream.indirect_vreg.gather [hbm4b:s7+s3], $0x80, v4, vm0, $0xb8;
	[tilespmem:$0x10200] =	vst v63  }
0x50: {  	s14 =	simm.s32 $0xA200  }
0x51: {  	[tilespmem:s14], [sflag:$0x1] =	stream.indirect_vreg.gather [hbm4b:s2+s3], $0x80, v3, vm0, $0xb8;
	[tilespmem:$0x10200] =	vst v63  }
0x52: {  	s15 =	simm.s32 $0xAA00  }
0x53: {  	[tilespmem:s15], [sflag:$0x1] =	stream.indirect_vreg.gather [hbm4b:s5+s3], $0x80, v3, vm0, $0xb8;
	[tilespmem:$0x10200] =	vst v63  }
0x54: {  	s22 =	simm.s32 $0xB200  }
0x55: {  	[tilespmem:s22], [sflag:$0x1] =	stream.indirect_vreg.gather [hbm4b:s6+s3], $0x80, v3, vm0, $0xb8;
	[tilespmem:$0x10200] =	vst v63  }
0x56: {  	s23 =	simm.s32 $0xBA00  }
0x57: {  	[tilespmem:s23], [sflag:$0x1] =	stream.indirect_vreg.gather [hbm4b:s7+s3], $0x80, v3, vm0, $0xb8;
	[tilespmem:$0x10200] =	vst v63  }
0x58: {  	v3 =	vld [tilespmem:$0x130];
	_ =	sdelay $0x4  }
0x59: {  	v51 =	vshll.u32 v3, $0x3  }
0x5a: {  	v3 =	vand.u32 $0x7, v3;
	v4 =	vand.u32 $0xFFFFFFC0, v51  }
0x5b: {  	v3 =	vor.u32 v3, v4  }
0x5c: {  	v4 =	vperm.xlane v3, v0;
	_ =	sdelay $0x1  }
0x5d: {  	v4 =	vadd.s32 v1, v4;
	_ =	sdelay $0x3  }
0x5e: {  	s24 =	simm.s32 $0xC200  }
0x5f: {  	[tilespmem:s24], [sflag:$0x1] =	stream.indirect_vreg.gather [hbm4b:s2+s3], $0x80, v4, vm0, $0xb8;
	[tilespmem:$0x10200] =	vst v63  }
0x60: {  	s28 =	simm.s32 $0xCA00;
	v3 =	vperm.xlane v3, v2  }
0x61: {  	[tilespmem:s28], [sflag:$0x1] =	stream.indirect_vreg.gather [hbm4b:s5+s3], $0x80, v4, vm0, $0xb8;
	[tilespmem:$0x10200] =	vst v63  }
0x62: {  	s14 =	simm.s32 $0xD200;
	v3 =	vadd.s32 v1, v3  }
0x63: {  	[tilespmem:s14], [sflag:$0x1] =	stream.indirect_vreg.gather [hbm4b:s6+s3], $0x80, v4, vm0, $0xb8;
	[tilespmem:$0x10200] =	vst v63  }
0x64: {  	s15 =	simm.s32 $0xDA00  }
0x65: {  	[tilespmem:s15], [sflag:$0x1] =	stream.indirect_vreg.gather [hbm4b:s7+s3], $0x80, v4, vm0, $0xb8;
	[tilespmem:$0x10200] =	vst v63  }
0x66: {  	s22 =	simm.s32 $0xE200  }
0x67: {  	[tilespmem:s22], [sflag:$0x1] =	stream.indirect_vreg.gather [hbm4b:s2+s3], $0x80, v3, vm0, $0xb8;
	[tilespmem:$0x10200] =	vst v63  }
0x68: {  	s23 =	simm.s32 $0xEA00  }
0x69: {  	[tilespmem:s23], [sflag:$0x1] =	stream.indirect_vreg.gather [hbm4b:s5+s3], $0x80, v3, vm0, $0xb8;
	[tilespmem:$0x10200] =	vst v63  }
0x6a: {  	s24 =	simm.s32 $0xF200  }
0x6b: {  	[tilespmem:s24], [sflag:$0x1] =	stream.indirect_vreg.gather [hbm4b:s6+s3], $0x80, v3, vm0, $0xb8;
	[tilespmem:$0x10200] =	vst v63  }
0x6c: {  	s28 =	simm.s32 $0xFA00  }
0x6d: {  	[tilespmem:s28], [sflag:$0x1] =	stream.indirect_vreg.gather [hbm4b:s7+s3], $0x80, v3, vm0, $0xb8;
	[tilespmem:$0x10200] =	vst v63  }
0x6e: {  	_ =	swait.ge [sflag:s25], $0x10000  }
0x6f: {  	[sflag:s25] =	ssyncset.done $0x0  }
0x70: {  	[sflag:s25] =	ssyncadd.s32 $0xFFFF0000  }
0x71: {  	v3 =	vld [tilespmem:$0x0];
	_ =	sdelay $0x4  }
0x72: {  	v52 =	vshll.u32 v3, $0x3  }
0x73: {  	v3 =	vand.u32 $0x7, v3;
	v4 =	vand.u32 $0xFFFFFFC0, v52  }
0x74: {  	v3 =	vor.u32 v3, v4  }
0x75: {  	v4 =	vperm.xlane v3, v0;
	_ =	sdelay $0x1  }
0x76: {  	v4 =	vadd.s32 v1, v4;
	_ =	sdelay $0x3  }
0x77: {  	s1 =	simm.s32 $0x200  }
0x78: {  	[hbm4b:s4+s3] =	stream.indirect_vreg.scatter [tilespmem:s1], [sflag:$0x1], $0x80, v4, vm0, $0xb8;
	[tilespmem:$0x10200] =	vst v63  }
0x79: {  	s21 =	simm.s32 $0xA00;
	v3 =	vperm.xlane v3, v2  }
0x7a: {  	[hbm4b:s8+s3] =	stream.indirect_vreg.scatter [tilespmem:s21], [sflag:$0x1], $0x80, v4, vm0, $0xb8;
	[tilespmem:$0x10200] =	vst v63  }
0x7b: {  	v3 =	vadd.s32 v1, v3  }
0x7c: {  	[hbm4b:s9+s3] =	stream.indirect_vreg.scatter [tilespmem:s29], [sflag:$0x1], $0x80, v4, vm0, $0xb8;
	[tilespmem:$0x10200] =	vst v63  }
0x7d: {  	_ = 	snop  }
0x7e: {  	[hbm4b:s10+s3] =	stream.indirect_vreg.scatter [tilespmem:s30], [sflag:$0x1], $0x80, v4, vm0, $0xb8;
	[tilespmem:$0x10200] =	vst v63  }
0x7f: {  	_ = 	snop  }
0x80: {  	[hbm4b:s4+s3] =	stream.indirect_vreg.scatter [tilespmem:s31], [sflag:$0x1], $0x80, v3, vm0, $0xb8;
	[tilespmem:$0x10200] =	vst v63  }
0x81: {  	s23 =	simm.s32 $0x2A00  }
0x82: {  	[hbm4b:s8+s3] =	stream.indirect_vreg.scatter [tilespmem:s23], [sflag:$0x1], $0x80, v3, vm0, $0xb8;
	[tilespmem:$0x10200] =	vst v63  }
0x83: {  	s13 =	simm.s32 $0x3200  }
0x84: {  	[hbm4b:s9+s3] =	stream.indirect_vreg.scatter [tilespmem:s13], [sflag:$0x1], $0x80, v3, vm0, $0xb8;
	[tilespmem:$0x10200] =	vst v63  }
0x85: {  	s0 =	simm.s32 $0x3A00  }
0x86: {  	[hbm4b:s10+s3] =	stream.indirect_vreg.scatter [tilespmem:s0], [sflag:$0x1], $0x80, v3, vm0, $0xb8;
	[tilespmem:$0x10200] =	vst v63  }
0x87: {  	v3 =	vld [tilespmem:$0x10];
	_ =	sdelay $0x4  }
0x88: {  	v53 =	vshll.u32 v3, $0x3  }
0x89: {  	v3 =	vand.u32 $0x7, v3;
	v4 =	vand.u32 $0xFFFFFFC0, v53  }
0x8a: {  	v3 =	vor.u32 v3, v4  }
0x8b: {  	v4 =	vperm.xlane v3, v0;
	_ =	sdelay $0x1  }
0x8c: {  	v4 =	vadd.s32 v1, v4;
	_ =	sdelay $0x3  }
0x8d: {  	s21 =	simm.s32 $0x4200  }
0x8e: {  	[hbm4b:s4+s3] =	stream.indirect_vreg.scatter [tilespmem:s21], [sflag:$0x1], $0x80, v4, vm0, $0xb8;
	[tilespmem:$0x10200] =	vst v63  }
0x8f: {  	s22 =	simm.s32 $0x4A00;
	v3 =	vperm.xlane v3, v2  }
0x90: {  	[hbm4b:s8+s3] =	stream.indirect_vreg.scatter [tilespmem:s22], [sflag:$0x1], $0x80, v4, vm0, $0xb8;
	[tilespmem:$0x10200] =	vst v63  }
0x91: {  	s16 =	simm.s32 $0x5200;
	v3 =	vadd.s32 v1, v3  }
0x92: {  	[hbm4b:s9+s3] =	stream.indirect_vreg.scatter [tilespmem:s16], [sflag:$0x1], $0x80, v4, vm0, $0xb8;
	[tilespmem:$0x10200] =	vst v63  }
0x93: {  	s17 =	simm.s32 $0x5A00  }
0x94: {  	[hbm4b:s10+s3] =	stream.indirect_vreg.scatter [tilespmem:s17], [sflag:$0x1], $0x80, v4, vm0, $0xb8;
	[tilespmem:$0x10200] =	vst v63  }
0x95: {  	s18 =	simm.s32 $0x6200  }
0x96: {  	[hbm4b:s4+s3] =	stream.indirect_vreg.scatter [tilespmem:s18], [sflag:$0x1], $0x80, v3, vm0, $0xb8;
	[tilespmem:$0x10200] =	vst v63  }
0x97: {  	s19 =	simm.s32 $0x6A00  }
0x98: {  	[hbm4b:s8+s3] =	stream.indirect_vreg.scatter [tilespmem:s19], [sflag:$0x1], $0x80, v3, vm0, $0xb8;
	[tilespmem:$0x10200] =	vst v63  }
0x99: {  	s20 =	simm.s32 $0x7200  }
0x9a: {  	[hbm4b:s9+s3] =	stream.indirect_vreg.scatter [tilespmem:s20], [sflag:$0x1], $0x80, v3, vm0, $0xb8;
	[tilespmem:$0x10200] =	vst v63  }
0x9b: {  	s1 =	simm.s32 $0x7A00  }
0x9c: {  	[hbm4b:s10+s3] =	stream.indirect_vreg.scatter [tilespmem:s1], [sflag:$0x1], $0x80, v3, vm0, $0xb8;
	[tilespmem:$0x10200] =	vst v63  }
0x9d: {  	v3 =	vld [tilespmem:$0x20];
	_ =	sdelay $0x4  }
0x9e: {  	v54 =	vshll.u32 v3, $0x3  }
0x9f: {  	v3 =	vand.u32 $0x7, v3;
	v4 =	vand.u32 $0xFFFFFFC0, v54  }
0xa0: {  	v3 =	vor.u32 v3, v4  }
0xa1: {  	v4 =	vperm.xlane v3, v0;
	_ =	sdelay $0x1  }
0xa2: {  	v4 =	vadd.s32 v1, v4;
	_ =	sdelay $0x3  }
0xa3: {  	s24 =	simm.s32 $0x8200  }
0xa4: {  	[hbm4b:s4+s3] =	stream.indirect_vreg.scatter [tilespmem:s24], [sflag:$0x1], $0x80, v4, vm0, $0xb8;
	[tilespmem:$0x10200] =	vst v63  }
0xa5: {  	s26 =	simm.s32 $0x8A00;
	v3 =	vperm.xlane v3, v2  }
0xa6: {  	[hbm4b:s8+s3] =	stream.indirect_vreg.scatter [tilespmem:s26], [sflag:$0x1], $0x80, v4, vm0, $0xb8;
	[tilespmem:$0x10200] =	vst v63  }
0xa7: {  	v3 =	vadd.s32 v1, v3;
	s26 =	simm.s32 $0x9200  }
0xa8: {  	[hbm4b:s9+s3] =	stream.indirect_vreg.scatter [tilespmem:s26], [sflag:$0x1], $0x80, v4, vm0, $0xb8;
	[tilespmem:$0x10200] =	vst v63  }
0xa9: {  	s16 =	simm.s32 $0x9A00  }
0xaa: {  	[hbm4b:s10+s3] =	stream.indirect_vreg.scatter [tilespmem:s16], [sflag:$0x1], $0x80, v4, vm0, $0xb8;
	[tilespmem:$0x10200] =	vst v63  }
0xab: {  	s20 =	simm.s32 $0xA200  }
0xac: {  	[hbm4b:s4+s3] =	stream.indirect_vreg.scatter [tilespmem:s20], [sflag:$0x1], $0x80, v3, vm0, $0xb8;
	[tilespmem:$0x10200] =	vst v63  }
0xad: {  	s12 =	simm.s32 $0xAA00  }
0xae: {  	[hbm4b:s8+s3] =	stream.indirect_vreg.scatter [tilespmem:s12], [sflag:$0x1], $0x80, v3, vm0, $0xb8;
	[tilespmem:$0x10200] =	vst v63  }
0xaf: {  	s12 =	simm.s32 $0xB200  }
0xb0: {  	[hbm4b:s9+s3] =	stream.indirect_vreg.scatter [tilespmem:s12], [sflag:$0x1], $0x80, v3, vm0, $0xb8;
	[tilespmem:$0x10200] =	vst v63  }
0xb1: {  	s18 =	simm.s32 $0xBA00  }
0xb2: {  	[hbm4b:s10+s3] =	stream.indirect_vreg.scatter [tilespmem:s18], [sflag:$0x1], $0x80, v3, vm0, $0xb8;
	[tilespmem:$0x10200] =	vst v63  }
0xb3: {  	v3 =	vld [tilespmem:$0x30];
	_ =	sdelay $0x4  }
0xb4: {  	v55 =	vshll.u32 v3, $0x3  }
0xb5: {  	v3 =	vand.u32 $0x7, v3;
	v4 =	vand.u32 $0xFFFFFFC0, v55  }
0xb6: {  	v3 =	vor.u32 v3, v4  }
0xb7: {  	v4 =	vperm.xlane v3, v0;
	_ =	sdelay $0x1  }
0xb8: {  	v4 =	vadd.s32 v1, v4;
	_ =	sdelay $0x3  }
0xb9: {  	s17 =	simm.s32 $0xC200  }
0xba: {  	[hbm4b:s4+s3] =	stream.indirect_vreg.scatter [tilespmem:s17], [sflag:$0x1], $0x80, v4, vm0, $0xb8;
	[tilespmem:$0x10200] =	vst v63  }
0xbb: {  	s19 =	simm.s32 $0xCA00;
	v3 =	vperm.xlane v3, v2  }
0xbc: {  	[hbm4b:s8+s3] =	stream.indirect_vreg.scatter [tilespmem:s19], [sflag:$0x1], $0x80, v4, vm0, $0xb8;
	[tilespmem:$0x10200] =	vst v63  }
0xbd: {  	s13 =	simm.s32 $0xD200;
	v3 =	vadd.s32 v1, v3  }
0xbe: {  	[hbm4b:s9+s3] =	stream.indirect_vreg.scatter [tilespmem:s13], [sflag:$0x1], $0x80, v4, vm0, $0xb8;
	[tilespmem:$0x10200] =	vst v63  }
0xbf: {  	s14 =	simm.s32 $0xDA00  }
0xc0: {  	[hbm4b:s10+s3] =	stream.indirect_vreg.scatter [tilespmem:s14], [sflag:$0x1], $0x80, v4, vm0, $0xb8;
	[tilespmem:$0x10200] =	vst v63  }
0xc1: {  	s14 =	simm.s32 $0xE200  }
0xc2: {  	[hbm4b:s4+s3] =	stream.indirect_vreg.scatter [tilespmem:s14], [sflag:$0x1], $0x80, v3, vm0, $0xb8;
	[tilespmem:$0x10200] =	vst v63  }
0xc3: {  	s15 =	simm.s32 $0xEA00  }
0xc4: {  	[hbm4b:s8+s3] =	stream.indirect_vreg.scatter [tilespmem:s15], [sflag:$0x1], $0x80, v3, vm0, $0xb8;
	[tilespmem:$0x10200] =	vst v63  }
0xc5: {  	s15 =	simm.s32 $0xF200  }
0xc6: {  	[hbm4b:s9+s3] =	stream.indirect_vreg.scatter [tilespmem:s15], [sflag:$0x1], $0x80, v3, vm0, $0xb8;
	[tilespmem:$0x10200] =	vst v63  }
0xc7: {  	s28 =	simm.s32 $0xFA00  }
0xc8: {  	[hbm4b:s10+s3] =	stream.indirect_vreg.scatter [tilespmem:s28], [sflag:$0x1], $0x80, v3, vm0, $0xb8;
	[tilespmem:$0x10200] =	vst v63  }
0xc9: {  	_ =	swait.ge [sflag:s25], $0x10000  }
0xca: {  	[sflag:s25] =	ssyncset.done $0x0  }
0xcb: {  	[sflag:s25] =	ssyncadd.s32 $0xFFFF0000  }
0xcc: {  	v3 =	vld [tilespmem:$0x180];
	_ =	sdelay $0x4  }
0xcd: {  	v56 =	vshll.u32 v3, $0x3  }
0xce: {  	v3 =	vand.u32 $0x7, v3;
	v4 =	vand.u32 $0xFFFFFFC0, v56  }
0xcf: {  	v3 =	vor.u32 v3, v4  }
0xd0: {  	v4 =	vperm.xlane v3, v0;
	_ =	sdelay $0x1  }
0xd1: {  	v4 =	vadd.s32 v1, v4;
	_ =	sdelay $0x3  }
0xd2: {  	s28 =	simm.s32 $0x200  }
0xd3: {  	[tilespmem:s28], [sflag:$0x1] =	stream.indirect_vreg.gather [hbm4b:s2+s3], $0x80, v4, vm0, $0xb8;
	[tilespmem:$0x10200] =	vst v63  }
0xd4: {  	v3 =	vperm.xlane v3, v2;
	s28 =	simm.s32 $0xA00  }
0xd5: {  	[tilespmem:s28], [sflag:$0x1] =	stream.indirect_vreg.gather [hbm4b:s5+s3], $0x80, v4, vm0, $0xb8;
	[tilespmem:$0x10200] =	vst v63  }
0xd6: {  	v3 =	vadd.s32 v1, v3  }
0xd7: {  	[tilespmem:s29], [sflag:$0x1] =	stream.indirect_vreg.gather [hbm4b:s6+s3], $0x80, v4, vm0, $0xb8;
	[tilespmem:$0x10200] =	vst v63  }
0xd8: {  	_ = 	snop  }
0xd9: {  	[tilespmem:s30], [sflag:$0x1] =	stream.indirect_vreg.gather [hbm4b:s7+s3], $0x80, v4, vm0, $0xb8;
	[tilespmem:$0x10200] =	vst v63  }
0xda: {  	_ = 	snop  }
0xdb: {  	[tilespmem:s31], [sflag:$0x1] =	stream.indirect_vreg.gather [hbm4b:s2+s3], $0x80, v3, vm0, $0xb8;
	[tilespmem:$0x10200] =	vst v63  }
0xdc: {  	_ = 	snop  }
0xdd: {  	[tilespmem:s23], [sflag:$0x1] =	stream.indirect_vreg.gather [hbm4b:s5+s3], $0x80, v3, vm0, $0xb8;
	[tilespmem:$0x10200] =	vst v63  }
0xde: {  	s23 =	simm.s32 $0x3200  }
0xdf: {  	[tilespmem:s23], [sflag:$0x1] =	stream.indirect_vreg.gather [hbm4b:s6+s3], $0x80, v3, vm0, $0xb8;
	[tilespmem:$0x10200] =	vst v63  }
0xe0: {  	_ = 	snop  }
0xe1: {  	[tilespmem:s0], [sflag:$0x1] =	stream.indirect_vreg.gather [hbm4b:s7+s3], $0x80, v3, vm0, $0xb8;
	[tilespmem:$0x10200] =	vst v63  }
0xe2: {  	v3 =	vld [tilespmem:$0x190];
	_ =	sdelay $0x4  }
0xe3: {  	v57 =	vshll.u32 v3, $0x3  }
0xe4: {  	v3 =	vand.u32 $0x7, v3;
	v4 =	vand.u32 $0xFFFFFFC0, v57  }
0xe5: {  	v3 =	vor.u32 v3, v4  }
0xe6: {  	v4 =	vperm.xlane v3, v0;
	_ =	sdelay $0x1  }
0xe7: {  	v4 =	vadd.s32 v1, v4;
	_ =	sdelay $0x4  }
0xe8: {  	[tilespmem:s21], [sflag:$0x1] =	stream.indirect_vreg.gather [hbm4b:s2+s3], $0x80, v4, vm0, $0xb8;
	[tilespmem:$0x10200] =	vst v63  }
0xe9: {  	v3 =	vperm.xlane v3, v2  }
0xea: {  	[tilespmem:s22], [sflag:$0x1] =	stream.indirect_vreg.gather [hbm4b:s5+s3], $0x80, v4, vm0, $0xb8;
	[tilespmem:$0x10200] =	vst v63  }
0xeb: {  	s23 =	simm.s32 $0x5200;
	v3 =	vadd.s32 v1, v3  }
0xec: {  	[tilespmem:s23], [sflag:$0x1] =	stream.indirect_vreg.gather [hbm4b:s6+s3], $0x80, v4, vm0, $0xb8;
	[tilespmem:$0x10200] =	vst v63  }
0xed: {  	s0 =	simm.s32 $0x5A00  }
0xee: {  	[tilespmem:s0], [sflag:$0x1] =	stream.indirect_vreg.gather [hbm4b:s7+s3], $0x80, v4, vm0, $0xb8;
	[tilespmem:$0x10200] =	vst v63  }
0xef: {  	s0 =	simm.s32 $0x6200  }
0xf0: {  	[tilespmem:s0], [sflag:$0x1] =	stream.indirect_vreg.gather [hbm4b:s2+s3], $0x80, v3, vm0, $0xb8;
	[tilespmem:$0x10200] =	vst v63  }
0xf1: {  	s0 =	simm.s32 $0x6A00  }
0xf2: {  	[tilespmem:s0], [sflag:$0x1] =	stream.indirect_vreg.gather [hbm4b:s5+s3], $0x80, v3, vm0, $0xb8;
	[tilespmem:$0x10200] =	vst v63  }
0xf3: {  	s0 =	simm.s32 $0x7200  }
0xf4: {  	[tilespmem:s0], [sflag:$0x1] =	stream.indirect_vreg.gather [hbm4b:s6+s3], $0x80, v3, vm0, $0xb8;
	[tilespmem:$0x10200] =	vst v63  }
0xf5: {  	_ = 	snop  }
0xf6: {  	[tilespmem:s1], [sflag:$0x1] =	stream.indirect_vreg.gather [hbm4b:s7+s3], $0x80, v3, vm0, $0xb8;
	[tilespmem:$0x10200] =	vst v63  }
0xf7: {  	v3 =	vld [tilespmem:$0x1A0];
	_ =	sdelay $0x4  }
0xf8: {  	v58 =	vshll.u32 v3, $0x3  }
0xf9: {  	v3 =	vand.u32 $0x7, v3;
	v4 =	vand.u32 $0xFFFFFFC0, v58  }
0xfa: {  	v3 =	vor.u32 v3, v4  }
0xfb: {  	v4 =	vperm.xlane v3, v0;
	_ =	sdelay $0x1  }
0xfc: {  	v4 =	vadd.s32 v1, v4;
	_ =	sdelay $0x4  }
0xfd: {  	[tilespmem:s24], [sflag:$0x1] =	stream.indirect_vreg.gather [hbm4b:s2+s3], $0x80, v4, vm0, $0xb8;
	[tilespmem:$0x10200] =	vst v63  }
0xfe: {  	s1 =	simm.s32 $0x8A00;
	v3 =	vperm.xlane v3, v2  }
0xff: {  	[tilespmem:s1], [sflag:$0x1] =	stream.indirect_vreg.gather [hbm4b:s5+s3], $0x80, v4, vm0, $0xb8;
	[tilespmem:$0x10200] =	vst v63  }
0x100: {  	v3 =	vadd.s32 v1, v3  }
0x101: {  	[tilespmem:s26], [sflag:$0x1] =	stream.indirect_vreg.gather [hbm4b:s6+s3], $0x80, v4, vm0, $0xb8;
	[tilespmem:$0x10200] =	vst v63  }
0x102: {  	_ = 	snop  }
0x103: {  	[tilespmem:s16], [sflag:$0x1] =	stream.indirect_vreg.gather [hbm4b:s7+s3], $0x80, v4, vm0, $0xb8;
	[tilespmem:$0x10200] =	vst v63  }
0x104: {  	_ = 	snop  }
0x105: {  	[tilespmem:s20], [sflag:$0x1] =	stream.indirect_vreg.gather [hbm4b:s2+s3], $0x80, v3, vm0, $0xb8;
	[tilespmem:$0x10200] =	vst v63  }
0x106: {  	s0 =	simm.s32 $0xAA00  }
0x107: {  	[tilespmem:s0], [sflag:$0x1] =	stream.indirect_vreg.gather [hbm4b:s5+s3], $0x80, v3, vm0, $0xb8;
	[tilespmem:$0x10200] =	vst v63  }
0x108: {  	_ = 	snop  }
0x109: {  	[tilespmem:s12], [sflag:$0x1] =	stream.indirect_vreg.gather [hbm4b:s6+s3], $0x80, v3, vm0, $0xb8;
	[tilespmem:$0x10200] =	vst v63  }
0x10a: {  	_ = 	snop  }
0x10b: {  	[tilespmem:s18], [sflag:$0x1] =	stream.indirect_vreg.gather [hbm4b:s7+s3], $0x80, v3, vm0, $0xb8;
	[tilespmem:$0x10200] =	vst v63  }
0x10c: {  	v3 =	vld [tilespmem:$0x1B0];
	_ =	sdelay $0x4  }
0x10d: {  	v59 =	vshll.u32 v3, $0x3  }
0x10e: {  	v3 =	vand.u32 $0x7, v3;
	v4 =	vand.u32 $0xFFFFFFC0, v59  }
0x10f: {  	v3 =	vor.u32 v3, v4  }
0x110: {  	v4 =	vperm.xlane v3, v0;
	_ =	sdelay $0x1  }
0x111: {  	v4 =	vadd.s32 v1, v4;
	_ =	sdelay $0x4  }
0x112: {  	[tilespmem:s17], [sflag:$0x1] =	stream.indirect_vreg.gather [hbm4b:s2+s3], $0x80, v4, vm0, $0xb8;
	[tilespmem:$0x10200] =	vst v63  }
0x113: {  	v3 =	vperm.xlane v3, v2  }
0x114: {  	[tilespmem:s19], [sflag:$0x1] =	stream.indirect_vreg.gather [hbm4b:s5+s3], $0x80, v4, vm0, $0xb8;
	[tilespmem:$0x10200] =	vst v63  }
0x115: {  	v3 =	vadd.s32 v1, v3  }
0x116: {  	[tilespmem:s13], [sflag:$0x1] =	stream.indirect_vreg.gather [hbm4b:s6+s3], $0x80, v4, vm0, $0xb8;
	[tilespmem:$0x10200] =	vst v63  }
0x117: {  	s1 =	simm.s32 $0xDA00  }
0x118: {  	[tilespmem:s1], [sflag:$0x1] =	stream.indirect_vreg.gather [hbm4b:s7+s3], $0x80, v4, vm0, $0xb8;
	[tilespmem:$0x10200] =	vst v63  }
0x119: {  	_ = 	snop  }
0x11a: {  	[tilespmem:s14], [sflag:$0x1] =	stream.indirect_vreg.gather [hbm4b:s2+s3], $0x80, v3, vm0, $0xb8;
	[tilespmem:$0x10200] =	vst v63  }
0x11b: {  	s0 =	simm.s32 $0xEA00  }
0x11c: {  	[tilespmem:s0], [sflag:$0x1] =	stream.indirect_vreg.gather [hbm4b:s5+s3], $0x80, v3, vm0, $0xb8;
	[tilespmem:$0x10200] =	vst v63  }
0x11d: {  	_ = 	snop  }
0x11e: {  	[tilespmem:s15], [sflag:$0x1] =	stream.indirect_vreg.gather [hbm4b:s6+s3], $0x80, v3, vm0, $0xb8;
	[tilespmem:$0x10200] =	vst v63  }
0x11f: {  	s1 =	simm.s32 $0xFA00  }
0x120: {  	[tilespmem:s1], [sflag:$0x1] =	stream.indirect_vreg.gather [hbm4b:s7+s3], $0x80, v3, vm0, $0xb8;
	[tilespmem:$0x10200] =	vst v63  }
0x121: {  	_ =	swait.ge [sflag:s25], $0x10000  }
0x122: {  	[sflag:s25] =	ssyncset.done $0x0  }
0x123: {  	[sflag:s25] =	ssyncadd.s32 $0xFFFF0000  }
0x124: {  	v3 =	vld [tilespmem:$0x80];
	_ =	sdelay $0x4  }
0x125: {  	v60 =	vshll.u32 v3, $0x3  }
0x126: {  	v3 =	vand.u32 $0x7, v3;
	v4 =	vand.u32 $0xFFFFFFC0, v60  }
0x127: {  	v3 =	vor.u32 v3, v4  }
0x128: {  	v4 =	vperm.xlane v3, v0;
	_ =	sdelay $0x1  }
0x129: {  	v4 =	vadd.s32 v1, v4;
	_ =	sdelay $0x3  }
0x12a: {  	s1 =	simm.s32 $0x200  }
0x12b: {  	[hbm4b:s4+s3] =	stream.indirect_vreg.scatter [tilespmem:s1], [sflag:$0x1], $0x80, v4, vm0, $0xb8;
	[tilespmem:$0x10200] =	vst v63  }
0x12c: {  	v3 =	vperm.xlane v3, v2  }
0x12d: {  	[hbm4b:s8+s3] =	stream.indirect_vreg.scatter [tilespmem:s28], [sflag:$0x1], $0x80, v4, vm0, $0xb8;
	[tilespmem:$0x10200] =	vst v63  }
0x12e: {  	v3 =	vadd.s32 v1, v3  }
0x12f: {  	[hbm4b:s9+s3] =	stream.indirect_vreg.scatter [tilespmem:s29], [sflag:$0x1], $0x80, v4, vm0, $0xb8;
	[tilespmem:$0x10200] =	vst v63  }
0x130: {  	_ = 	snop  }
0x131: {  	[hbm4b:s10+s3] =	stream.indirect_vreg.scatter [tilespmem:s30], [sflag:$0x1], $0x80, v4, vm0, $0xb8;
	[tilespmem:$0x10200] =	vst v63  }
0x132: {  	_ = 	snop  }
0x133: {  	[hbm4b:s4+s3] =	stream.indirect_vreg.scatter [tilespmem:s31], [sflag:$0x1], $0x80, v3, vm0, $0xb8;
	[tilespmem:$0x10200] =	vst v63  }
0x134: {  	s28 =	simm.s32 $0x2A00  }
0x135: {  	[hbm4b:s8+s3] =	stream.indirect_vreg.scatter [tilespmem:s28], [sflag:$0x1], $0x80, v3, vm0, $0xb8;
	[tilespmem:$0x10200] =	vst v63  }
0x136: {  	s28 =	simm.s32 $0x3200  }
0x137: {  	[hbm4b:s9+s3] =	stream.indirect_vreg.scatter [tilespmem:s28], [sflag:$0x1], $0x80, v3, vm0, $0xb8;
	[tilespmem:$0x10200] =	vst v63  }
0x138: {  	s28 =	simm.s32 $0x3A00  }
0x139: {  	[hbm4b:s10+s3] =	stream.indirect_vreg.scatter [tilespmem:s28], [sflag:$0x1], $0x80, v3, vm0, $0xb8;
	[tilespmem:$0x10200] =	vst v63  }
0x13a: {  	v3 =	vld [tilespmem:$0x90];
	_ =	sdelay $0x4  }
0x13b: {  	v61 =	vshll.u32 v3, $0x3  }
0x13c: {  	v3 =	vand.u32 $0x7, v3;
	v4 =	vand.u32 $0xFFFFFFC0, v61  }
0x13d: {  	v3 =	vor.u32 v3, v4  }
0x13e: {  	v4 =	vperm.xlane v3, v0;
	_ =	sdelay $0x1  }
0x13f: {  	v4 =	vadd.s32 v1, v4;
	_ =	sdelay $0x3  }
0x140: {  	s21 =	simm.s32 $0x4200  }
0x141: {  	[hbm4b:s4+s3] =	stream.indirect_vreg.scatter [tilespmem:s21], [sflag:$0x1], $0x80, v4, vm0, $0xb8;
	[tilespmem:$0x10200] =	vst v63  }
0x142: {  	s22 =	simm.s32 $0x4A00;
	v3 =	vperm.xlane v3, v2  }
0x143: {  	[hbm4b:s8+s3] =	stream.indirect_vreg.scatter [tilespmem:s22], [sflag:$0x1], $0x80, v4, vm0, $0xb8;
	[tilespmem:$0x10200] =	vst v63  }
0x144: {  	v3 =	vadd.s32 v1, v3  }
0x145: {  	[hbm4b:s9+s3] =	stream.indirect_vreg.scatter [tilespmem:s23], [sflag:$0x1], $0x80, v4, vm0, $0xb8;
	[tilespmem:$0x10200] =	vst v63  }
0x146: {  	s22 =	simm.s32 $0x5A00  }
0x147: {  	[hbm4b:s10+s3] =	stream.indirect_vreg.scatter [tilespmem:s22], [sflag:$0x1], $0x80, v4, vm0, $0xb8;
	[tilespmem:$0x10200] =	vst v63  }
0x148: {  	s23 =	simm.s32 $0x6200  }
0x149: {  	[hbm4b:s4+s3] =	stream.indirect_vreg.scatter [tilespmem:s23], [sflag:$0x1], $0x80, v3, vm0, $0xb8;
	[tilespmem:$0x10200] =	vst v63  }
0x14a: {  	s28 =	simm.s32 $0x6A00  }
0x14b: {  	[hbm4b:s8+s3] =	stream.indirect_vreg.scatter [tilespmem:s28], [sflag:$0x1], $0x80, v3, vm0, $0xb8;
	[tilespmem:$0x10200] =	vst v63  }
0x14c: {  	s21 =	simm.s32 $0x7200  }
0x14d: {  	[hbm4b:s9+s3] =	stream.indirect_vreg.scatter [tilespmem:s21], [sflag:$0x1], $0x80, v3, vm0, $0xb8;
	[tilespmem:$0x10200] =	vst v63  }
0x14e: {  	s22 =	simm.s32 $0x7A00  }
0x14f: {  	[hbm4b:s10+s3] =	stream.indirect_vreg.scatter [tilespmem:s22], [sflag:$0x1], $0x80, v3, vm0, $0xb8;
	[tilespmem:$0x10200] =	vst v63  }
0x150: {  	v3 =	vld [tilespmem:$0xA0];
	_ =	sdelay $0x4  }
0x151: {  	v62 =	vshll.u32 v3, $0x3  }
0x152: {  	v3 =	vand.u32 $0x7, v3;
	v4 =	vand.u32 $0xFFFFFFC0, v62  }
0x153: {  	v3 =	vor.u32 v3, v4  }
0x154: {  	v4 =	vperm.xlane v3, v0;
	_ =	sdelay $0x1  }
0x155: {  	v4 =	vadd.s32 v1, v4;
	_ =	sdelay $0x3  }
0x156: {  	s24 =	simm.s32 $0x8200  }
0x157: {  	[hbm4b:s4+s3] =	stream.indirect_vreg.scatter [tilespmem:s24], [sflag:$0x1], $0x80, v4, vm0, $0xb8;
	[tilespmem:$0x10200] =	vst v63  }
0x158: {  	s23 =	simm.s32 $0x8A00;
	v3 =	vperm.xlane v3, v2  }
0x159: {  	[hbm4b:s8+s3] =	stream.indirect_vreg.scatter [tilespmem:s23], [sflag:$0x1], $0x80, v4, vm0, $0xb8;
	[tilespmem:$0x10200] =	vst v63  }
0x15a: {  	s26 =	simm.s32 $0x9200;
	v3 =	vadd.s32 v1, v3  }
0x15b: {  	[hbm4b:s9+s3] =	stream.indirect_vreg.scatter [tilespmem:s26], [sflag:$0x1], $0x80, v4, vm0, $0xb8;
	[tilespmem:$0x10200] =	vst v63  }
0x15c: {  	s16 =	simm.s32 $0x9A00  }
0x15d: {  	[hbm4b:s10+s3] =	stream.indirect_vreg.scatter [tilespmem:s16], [sflag:$0x1], $0x80, v4, vm0, $0xb8;
	[tilespmem:$0x10200] =	vst v63  }
0x15e: {  	s24 =	simm.s32 $0xA200  }
0x15f: {  	[hbm4b:s4+s3] =	stream.indirect_vreg.scatter [tilespmem:s24], [sflag:$0x1], $0x80, v3, vm0, $0xb8;
	[tilespmem:$0x10200] =	vst v63  }
0x160: {  	s20 =	simm.s32 $0xAA00  }
0x161: {  	[hbm4b:s8+s3] =	stream.indirect_vreg.scatter [tilespmem:s20], [sflag:$0x1], $0x80, v3, vm0, $0xb8;
	[tilespmem:$0x10200] =	vst v63  }
0x162: {  	s12 =	simm.s32 $0xB200  }
0x163: {  	[hbm4b:s9+s3] =	stream.indirect_vreg.scatter [tilespmem:s12], [sflag:$0x1], $0x80, v3, vm0, $0xb8;
	[tilespmem:$0x10200] =	vst v63  }
0x164: {  	s18 =	simm.s32 $0xBA00  }
0x165: {  	[hbm4b:s10+s3] =	stream.indirect_vreg.scatter [tilespmem:s18], [sflag:$0x1], $0x80, v3, vm0, $0xb8;
	[tilespmem:$0x10200] =	vst v63  }
0x166: {  	v3 =	vld [tilespmem:$0xB0];
	_ =	sdelay $0x4  }
0x167: {  	v63 =	vshll.u32 v3, $0x3  }
0x168: {  	v3 =	vand.u32 $0x7, v3;
	v4 =	vand.u32 $0xFFFFFFC0, v63  }
0x169: {  	v3 =	vor.u32 v3, v4  }
0x16a: {  	v4 =	vperm.xlane v3, v0;
	_ =	sdelay $0x1  }
0x16b: {  	v4 =	vadd.s32 v1, v4;
	_ =	sdelay $0x3  }
0x16c: {  	s17 =	simm.s32 $0xC200  }
0x16d: {  	[hbm4b:s4+s3] =	stream.indirect_vreg.scatter [tilespmem:s17], [sflag:$0x1], $0x80, v4, vm0, $0xb8;
	[tilespmem:$0x10200] =	vst v63  }
0x16e: {  	s19 =	simm.s32 $0xCA00;
	v3 =	vperm.xlane v3, v2  }
0x16f: {  	[hbm4b:s8+s3] =	stream.indirect_vreg.scatter [tilespmem:s19], [sflag:$0x1], $0x80, v4, vm0, $0xb8;
	[tilespmem:$0x10200] =	vst v63  }
0x170: {  	s13 =	simm.s32 $0xD200;
	v3 =	vadd.s32 v1, v3  }
0x171: {  	[hbm4b:s9+s3] =	stream.indirect_vreg.scatter [tilespmem:s13], [sflag:$0x1], $0x80, v4, vm0, $0xb8;
	[tilespmem:$0x10200] =	vst v63  }
0x172: {  	s26 =	simm.s32 $0xDA00  }
0x173: {  	[hbm4b:s10+s3] =	stream.indirect_vreg.scatter [tilespmem:s26], [sflag:$0x1], $0x80, v4, vm0, $0xb8;
	[tilespmem:$0x10200] =	vst v63  }
0x174: {  	s14 =	simm.s32 $0xE200  }
0x175: {  	[hbm4b:s4+s3] =	stream.indirect_vreg.scatter [tilespmem:s14], [sflag:$0x1], $0x80, v3, vm0, $0xb8;
	[tilespmem:$0x10200] =	vst v63  }
0x176: {  	_ = 	snop  }
0x177: {  	[hbm4b:s8+s3] =	stream.indirect_vreg.scatter [tilespmem:s0], [sflag:$0x1], $0x80, v3, vm0, $0xb8;
	[tilespmem:$0x10200] =	vst v63  }
0x178: {  	p0 =	sne.s32 s11, $0x1;
	s15 =	simm.s32 $0xF200  }
0x179: {  	[hbm4b:s9+s3] =	stream.indirect_vreg.scatter [tilespmem:s15], [sflag:$0x1], $0x80, v3, vm0, $0xb8;
	[tilespmem:$0x10200] =	vst v63  }
.Ltmp0:
0x17a: {  	s28 =	simm.s32 $0xFA00;
	(pc) =	sbr.rel @p0 .LBB2_1-.Ltmp0, $4  }
0x17b: {  	[hbm4b:s10+s3] =	stream.indirect_vreg.scatter [tilespmem:s28], [sflag:$0x1], $0x80, v3, vm0, $0xb8;
	[tilespmem:$0x10200] =	vst v63  }
0x17c: {  	_ =	swait.ge [sflag:s25], $0x10000  }
0x17d: {  	[sflag:s25] =	ssyncset.done $0x0  }
0x17e: {  	s11 =	sadd.s32 $0xFFFFFFFF, s11;
	[sflag:s25] =	ssyncadd.s32 $0xFFFF0000  }
0x17f: {  	_ =	sfence.sel $0x180000  }
0x180: {  	[bflag:$0x0] =	sbarrier.arrive $0xFFFF  }
0x181: {  	_ =	strace $0x90000047  }
0x182: {  	s0 =	stileid.u32;
	[bflag:$0x2] =	sbarrier.arrive $0xFFFF  }
0x183: {  	p0 =	sne.s32 s0, $0x0;
	s0 =	rddreg [dreg:$0x2]  }
0x184: {  	s0 =	sadd.s32 @!p0 $0x100000, s0  }
0x185: {  	[sflag:s0] =	ssyncadd.tile.s32 @!p0 $0x1;
	_ =	shalt  }
.Lfunc_end2:
_tile_overlayer_lowered:
.L_overlay_start_2:
0x186: {  	(tag) =	ssettag $0x2  }
0x187: {  	s0 =	rddreg [dreg:$0x0];
	s2 =	stileid.u32  }
0x188: {  	s1 =	rddreg [dreg:$0x1];
	p0 =	sne.s32 s2, $0x0  }
0x189: {  	s3 =	rddreg [dreg:$0x2];
	[bflag:$0x3] =	sbarrier.arrive $0xFFFF;
	s2 =	simm.s32 @!p0 $0x1C02  }
0x18a: {  	[timem:s3], [sflag:s2] =	dma.local @!p0 [hbm:s0], s1  }
0x18b: {  	s0 =	simm.s32 @!p0 $0x2  }
0x18c: {  	_ =	swait.ge @!p0 [sflag:s0], s1  }
0x18d: {  	s1 =	ssub.s32 @!p0 $0x0, s1;
	[sflag:s0] =	ssyncset.done @!p0 $0x0  }
0x18e: {  	[sflag:s0] =	ssyncadd.s32 @!p0 s1  }
0x18f: {  	[bflag:$0x3] =	sbarrier.arrive $0xFFFF  }
0x190: {  	_ =	shalt  }

// kernel: kernel.17.cloned.1.call-start
scs
__scs_entry_jumppad:
0x0: {  	(pc) =	sbr.rel $0x88, $3  }
0x1: {  	(tag) =	ssettag $0x0;
	lr =	simm.s32 $0x1  }
0x2: {  	[smem:$0x3F91] =	sst lr;
	_ =	strace $0xD0000000  }
0x3: {  	_ = 	snop  }
0x4: {  	_ = 	snop  }
0x5: {  	_ = 	snop  }
0x6: {  	_ = 	snop  }
0x7: {  	_ = 	snop  }
__scs_overlays_trampoline_lowered:
0x8: {  	[smem:$0x3FA0] =	sst s0  }
0x9: {  	[smem:$0x3FA1] =	sst s1  }
0xa: {  	[smem:$0x3FA2] =	sst s2  }
0xb: {  	[smem:$0x3FA3] =	sst s3  }
0xc: {  	[smem:$0x3FA4] =	sst s4  }
0xd: {  	[smem:$0x3FA5] =	sst s5  }
0xe: {  	[smem:$0x3FA6] =	sst s6  }
0xf: {  	[smem:$0x3FA7] =	sst s7  }
0x10: {  	[smem:$0x3FA8] =	sst s8  }
0x11: {  	[smem:$0x3FA9] =	sst s9;
	s0 =	simm.s32 @!p0 $0x0  }
0x12: {  	s1 =	sld [smem:$0x3F8F];
	s0 =	simm.s32 @p0 $0x1  }
0x13: {  	[smem:$0x3FAA] =	sst s0;
	s0 =	simm.s32 @!p1 $0x0  }
0x14: {  	s2 =	sld [smem:$0x3F8E];
	s0 =	simm.s32 @p1 $0x1  }
0x15: {  	[smem:$0x3FAB] =	sst s0;
	s0 =	simm.s32 @!p2 $0x0  }
0x16: {  	s3 =	sld [smem:$0x3FDB];
	s0 =	simm.s32 @p2 $0x1  }
0x17: {  	s4 =	simm.s32 $0x1BF5;
	[smem:$0x3FAD] =	sst s0  }
0x18: {  	s0 =	sld [smem:$0x3F90];
	_ =	swait.ge [sflag:s4], $0x0  }
0x19: {  	s7 =	sld [smem:$0x3F91]  }
0x1a: {  	s8 =	sadd.s32 $0xFFFFE003, lr  }
0x1b: {  	s9 =	sadd.s32 $0xFFFFFEF7, lr;
	s5 =	simm.s32 $0xFFFFFFFF;
	p2 =	slt.u32 s8, $0xFFFFF086  }
0x1c: {  	p1 =	slt.u32 s9, $0xF7A;
	s5 =	simm.s32 @!p2 $0x0  }
0x1d: {  	s5 =	simm.s32 @p1 $0x1;
	p0 =	seq.s32 s7, s2  }
0x1e: {  	s7 =	smul.u32 @!p0 $0xF7A, s2;
	p2 =	seq.s32 @!p0 s5, $0x0  }
0x1f: {  	s9 =	smul.u32 $0xF7A, s1;
	s8 =	simm.s32 @!p0 $0x1BF5;
	p2 =	por !p2, p0  }
0x20: {  	[sflag:s8] =	ssyncset.s32 @!p0 $0xFFFFF086;
	s6 =	sadd.s32 @!p0 s3, s7;
	s7 =	simm.s32 @!p0 $0x108  }
0x21: {  	s3 =	sadd.s32 s3, s9;
	s6 =	sadd.s32 @!p0 $0x88, s6;
	s7 =	simm.s32 @p2 $0x1082  }
0x22: {  	[simem:s7], [sflag:s8] =	dma.local @!p0 [hbm:s6], $0xF7A  }
0x23: {  	s9 =	sor.u32 $0xD0000000, s2;
	s6 =	simm.s32 $0x108;
	_ =	swait.ge @!p0 [sflag:s8], $0x0  }
0x24: {  	s3 =	sadd.s32 $0x88, s3;
	s6 =	simm.s32 @!p1 $0x1082;
	[sflag:s4] =	ssyncset.s32 $0xFFFFF086  }
0x25: {  	[simem:s6], [sflag:s4] =	dma.local [hbm:s3], $0xF7A  }
0x26: {  	[smem:$0x3F91] =	sst s1;
	(tag) =	ssettag s2;
	_ =	strace s9  }
0x27: {  	s1 =	sld [smem:$0x3FA1]  }
0x28: {  	s2 =	sld [smem:$0x3FA2]  }
0x29: {  	s4 =	sld [smem:$0x3FA4]  }
0x2a: {  	p0 =	seq.s32 s5, $0x0;
	s5 =	sld [smem:$0x3FA5]  }
0x2b: {  	s6 =	sld [smem:$0x3FA6]  }
0x2c: {  	s7 =	sld [smem:$0x3FA7]  }
0x2d: {  	s3 =	simm.s32 $0x108;
	s8 =	sld [smem:$0x3FA8]  }
0x2e: {  	s3 =	simm.s32 @!p0 $0x1082;
	s9 =	sld [smem:$0x3FA9]  }
0x2f: {  	lr =	sadd.s32 s0, s3;
	s0 =	sld [smem:$0x3FA0]  }
0x30: {  	s3 =	sld [smem:$0x3FA3]  }
0x31: {  	[smem:$0x3FAC] =	sst s10  }
0x32: {  	s10 =	sld [smem:$0x3FAA];
	_ =	sdelay $0x3  }
0x33: {  	p0 =	seq.s32 s10, $0x1;
	s10 =	sld [smem:$0x3FAC];
	_ =	sdelay $0x3  }
0x34: {  	[smem:$0x3FAC] =	sst s10  }
0x35: {  	s10 =	sld [smem:$0x3FAB];
	_ =	sdelay $0x3  }
0x36: {  	p1 =	seq.s32 s10, $0x1;
	s10 =	sld [smem:$0x3FAC];
	_ =	sdelay $0x3  }
0x37: {  	[smem:$0x3FAC] =	sst s10  }
0x38: {  	s10 =	sld [smem:$0x3FAD]  }
0x39: {  	_ = 	snop;
	(pc) =	sbr.ind lr, $3  }
0x3a: {  	_ = 	snop  }
0x3b: {  	_ = 	snop  }
0x3c: {  	p2 =	seq.s32 s10, $0x1;
	s10 =	sld [smem:$0x3FAC]  }
0x3d: {  	_ =	shalt  }
0x3e: {  	_ =	shalt  }
0x3f: {  	_ =	shalt  }
0x40: {  	_ =	shalt  }
0x41: {  	_ =	shalt  }
0x42: {  	_ =	shalt  }
0x43: {  	_ =	shalt  }
0x44: {  	_ =	shalt  }
0x45: {  	_ =	shalt  }
0x46: {  	_ =	shalt  }
0x47: {  	_ =	shalt  }
0x48: {  	_ =	shalt  }
0x49: {  	_ =	shalt  }
0x4a: {  	_ =	shalt  }
0x4b: {  	_ =	shalt  }
0x4c: {  	_ =	shalt  }
0x4d: {  	_ =	shalt  }
0x4e: {  	_ =	shalt  }
0x4f: {  	_ =	shalt  }
0x50: {  	_ =	shalt  }
0x51: {  	_ =	shalt  }
0x52: {  	_ =	shalt  }
0x53: {  	_ =	shalt  }
0x54: {  	_ =	shalt  }
0x55: {  	_ =	shalt  }
0x56: {  	_ =	shalt  }
0x57: {  	_ =	shalt  }
0x58: {  	_ =	shalt  }
0x59: {  	_ =	shalt  }
0x5a: {  	_ =	shalt  }
0x5b: {  	_ =	shalt  }
0x5c: {  	_ =	shalt  }
0x5d: {  	_ =	shalt  }
0x5e: {  	_ =	shalt  }
0x5f: {  	_ =	shalt  }
0x60: {  	_ =	shalt  }
0x61: {  	_ =	shalt  }
0x62: {  	_ =	shalt  }
0x63: {  	_ =	shalt  }
0x64: {  	_ =	shalt  }
0x65: {  	_ =	shalt  }
0x66: {  	_ =	shalt  }
0x67: {  	_ =	shalt  }
0x68: {  	_ =	shalt  }
0x69: {  	_ =	shalt  }
0x6a: {  	_ =	shalt  }
0x6b: {  	_ =	shalt  }
0x6c: {  	_ =	shalt  }
0x6d: {  	_ =	shalt  }
0x6e: {  	_ =	shalt  }
0x6f: {  	_ =	shalt  }
0x70: {  	_ =	shalt  }
0x71: {  	_ =	shalt  }
0x72: {  	_ =	shalt  }
0x73: {  	_ =	shalt  }
0x74: {  	_ =	shalt  }
0x75: {  	_ =	shalt  }
0x76: {  	_ =	shalt  }
0x77: {  	_ =	shalt  }
0x78: {  	_ =	shalt  }
0x79: {  	_ =	shalt  }
0x7a: {  	_ =	shalt  }
0x7b: {  	_ =	shalt  }
0x7c: {  	_ =	shalt  }
0x7d: {  	_ =	shalt  }
0x7e: {  	_ =	shalt  }
0x7f: {  	_ =	shalt  }
0x80: {  	_ =	shalt  }
0x81: {  	_ =	shalt  }
0x82: {  	_ =	shalt  }
0x83: {  	_ =	shalt  }
0x84: {  	_ =	shalt  }
0x85: {  	_ =	shalt  }
0x86: {  	_ =	shalt  }
0x87: {  	_ =	shalt  }
.Lfunc_end0:
.L_simem_size_0:
called_computation.1_lowered:
.L_overlay_start_0:
0x88: {  	s2 =	sld [smem:$0x3FD9]  }
0x89: {  	s3 =	sld [smem:$0x3FFE];
	_ =	sdelay $0x1  }
0x8a: {  	s1 =	srdreg.scid  }
0x8b: {  	s0 =	sand.u32 $0x1, s1  }
0x8c: {  	s16 =	sshll.u32 s0, $0xA;
	s2 =	sadd.s32 s3, s2  }
0x8d: {  	s2 =	sadd.s32 s2, s16  }
0x8e: {  	[smem:$0x3FB8] =	sst s2  }
0x8f: {  	_ = 	snop  }
0x90: {  	(tm) =	ssettm $0x1  }
0x91: {  	s17 =	sld [smem:$0x3FFB];
	_ =	sdelay $0x3  }
0x92: {  	_ =	strace s17  }
0x93: {  	s2 =	sld [smem:$0x3FFC];
	_ =	sdelay $0x3  }
0x94: {  	_ =	strace s2  }
0x95: {  	s2 =	sld [smem:$0x3FFD];
	_ =	sdelay $0x3  }
0x96: {  	_ =	strace s2  }
0x97: {  	_ =	strace $0x8FFFFFFF  }
0x98: {  	s18 =	sld [smem:$0x3FDB];
	_ =	sdelay $0x1  }
0x99: {  	s19 =	simm.s32 $_scs_section_size  }
0x9a: {  	s4 =	simm.s32 $_size__tile_overlayer_lowered;
	s5 =	simm.s32 $_tile_overlayer_lowered  }
0x9b: {  	s22 =	simm.s32 $0x1BFF;
	s21 =	sshll.u32 s5, $0x1;
	s2 =	sadd.s32 s19, s18  }
0x9c: {  	s6 =	simm.s32 $0x0;
	s20 =	sshll.u32 s4, $0x1;
	s4 =	sadd.s32 s21, s2  }
0x9d: {  	[timem:s6], [sflag:s22] =	dma.local [hbm:s4], s20  }
0x9e: {  	_ =	swait.ge [sflag:s22], s20  }
0x9f: {  	s3 =	ssub.s32 $0x0, s20;
	[sflag:s22] =	ssyncset.done $0x0  }
0xa0: {  	[sflag:s22] =	ssyncadd.s32 s3;
	_ =	sdelay $0x1  }
0xa1: {  	s23 =	simm.s32 $0x1B8B  }
0xa2: {  	_ =	swait.ge [sflag:s23], $0x1  }
0xa3: {  	[sflag:s23] =	ssyncset.done $0x0  }
0xa4: {  	s25 =	simm.s32 $0x1B8E;
	s24 =	sld [smem:$0x3FFE];
	[sflag:s23] =	ssyncadd.s32 $0xFFFFFFFF  }
0xa5: {  	s26 =	simm.s32 $execute0_lowered;
	[smem:$0x3FD2] =	sst s25  }
0xa6: {  	s4 =	sshll.u32 s26, $0x1;
	_ =	strace $0x80000049;
	[dreg:$0x1] =	wrdreg $0xFFFFFFFF  }
0xa7: {  	s28 =	simm.s32 $_size_execute0_lowered;
	s2 =	sadd.s32 s2, s4;
	[dreg:$0x0] =	wrdreg $0x0  }
0xa8: {  	s4 =	sshll.u32 s28, $0x1;
	[dreg:$0x2] =	wrdreg s2  }
0xa9: {  	[dreg:$0x3] =	wrdreg s4  }
0xaa: {  	[dreg:$0x4] =	wrdreg $0xC0  }
0xab: {  	_ =	task [dreg:s6], $0x5FFFF  }
0xac: {  	[dreg:$0x1] =	wrdreg $0xFFFFFFFF  }
0xad: {  	[dreg:$0x0] =	wrdreg $0x60  }
0xae: {  	[dreg:$0x2] =	wrdreg s24  }
0xaf: {  	[dreg:$0x3] =	wrdreg $0x9  }
0xb0: {  	_ =	task.clear_ibuf [dreg:s6], $0x4FFFF;
	_ =	strace $0x90000049  }
0xb1: {  	s29 =	simm.s32 $0x9;
	_ =	strace $0x8000004B  }
0xb2: {  	_ =	swait.ge [sflag:s29], $0x1  }
0xb3: {  	[sflag:s29] =	ssyncadd.s32 $0xFFFFFFFF  }
0xb4: {  	_ =	strace $0x9000004B  }
0xb5: {  	_ =	sfence  }
0xb6: {  	s30 =	sld [smem:$0x0];
	_ =	sdelay $0x2  }
0xb7: {  	s31 =	sshll.u32 s1, $0xD;
	s1 =	sshrl.u32 s1, $0x2  }
0xb8: {  	s3 =	sand.u32 $0x4000, s31;
	s1 =	sadd.s32 s1, s30  }
0xb9: {  	s0 =	sor.u32 s3, s0;
	s1 =	sshll.u32 s1, $0x11  }
0xba: {  	s0 =	sor.u32 s1, s0  }
0xbb: {  	s0 =	sadd.s32 $0x8F2B, s0  }
0xbc: {  	[sflag:s0] =	ssyncadd.remote.s32 $0x1  }
0xbd: {  	_ =	sfence.sel $0xFFFF  }
0xbe: {  	[dreg:$0x0] =	wrdreg $0xFFFFFFFF;
	(pc) =	sbr.abs _section_cstart, $3  }
0xbf: {  	[dreg:$0x1] =	wrdreg $0xFFFFFFFF  }
0xc0: {  	_ =	task.clear_ibuf [dreg:s6], $0x2FFFF;
	_ =	strace $0x9FFFFFFF  }
0xc1: {  	(tm) =	ssettm $0x7FFFFFFF  }
tec
execute0_lowered:
.L_overlay_start_1:
0x0: {  	(tag) =	ssettag $0x1  }
0x1: {  	s0 =	rddreg [dreg:$0x0];
	s1 =	srdreg.scid  }
0x2: {  	s3 =	stileid.u32;
	s2 =	simm.s32 $0x0;
	s18 =	simm.s32 $0x1  }
0x3: {  	s20 =	simm.s32 $0x900;
	s21 =	simm.s32 $0x1100;
	s22 =	simm.s32 $0x1900  }
0x4: {  	s23 =	simm.s32 $0x2100;
	s24 =	simm.s32 $0x2900;
	s25 =	simm.s32 $0x3100  }
0x5: {  	s28 =	simm.s32 $0x4100;
	s29 =	simm.s32 $0x4900;
	s30 =	simm.s32 $0x5100  }
0x6: {  	s31 =	simm.s32 $0x5900;
	s10 =	simm.s32 $0x7100;
	s11 =	simm.s32 $0x7900  }
0x7: {  	s12 =	simm.s32 $0x8100;
	s13 =	simm.s32 $0x8900;
	s14 =	simm.s32 $0x9100  }
0x8: {  	s15 =	simm.s32 $0x9900;
	s16 =	simm.s32 $0xA100;
	s17 =	simm.s32 $0xA900  }
0x9: {  	s1 =	sand.u32 $0x1, s1;
	s3 =	sshll.u32 s3, $0x1;
	[smem:$0x7FF] =	sst s2  }
0xa: {  	s9 =	simm.s32 $0xB100;
	s4 =	sor.u32 s1, s3;
	_ =	strace $0x8000004A  }
0xb: {  	s3 =	sadd.s32 $0xC1E00, s0;
	s1 =	ssub.s32 $0x2, s1;
	s5 =	sshll.u32 s4, $0x5  }
0xc: {  	s4 =	sshll.u32 s4, $0xE;
	s6 =	sshrl.u32 s1, $0x1;
	s5 =	sadd.s32 s5, s0  }
0xd: {  	s7 =	sadd.s32 s4, s0;
	s1 =	ssub.s32 s1, s6;
	s5 =	sadd.s32 $0x1A00, s5  }
0xe: {  	s4 =	sadd.s32 $0xC1F00, s0;
	s8 =	sadd.s32 $0x1E00, s7;
	[dreg:$0x2] =	wrdreg s5  }
0xf: {  	v2 =	vlaneseq.u32;
	s6 =	sadd.s32 $0xC2100, s0;
	s26 =	sadd.s32 $0x3E00, s7;
	[dreg:$0x3] =	wrdreg s8  }
0x10: {  	vm0 =	vmmov $0xffff;
	v1 =	vshrl.u32 v2, $0x3;
	s7 =	smax.u32 s1, $0x1;
	s5 =	sadd.s32 $0xC2000, s0;
	[dreg:$0x4] =	wrdreg s26  }
0x11: {  	v0 =	vand.u32 $0x7, v2;
	v2 =	vor.u32 $0x8, v2;
	v1 =	vmul.u32 $0x8, v1;
	s8 =	simm.s32 $0x2;
	s0 =	simm.s32 $0x100;
	s26 =	simm.s32 $0x3900  }
.LBB2_1:
0x12: {  	s19 =	rddreg [dreg:$0x2]  }
0x13: {  	[tilespmem:s2], [sflag:$0x2] =	stream.linear.gather [hbm4b:s19+s2], $0x100, $0x38;
	[tilespmem:$0x10100] =	vst v63  }
0x14: {  	_ =	swait.ge [sflag:s8], $0x100  }
0x15: {  	[sflag:s8] =	ssyncset.done $0x0  }
0x16: {  	[sflag:s8] =	ssyncadd.s32 $0xFFFFFF00  }
0x17: {  	v3 =	vld [tilespmem:$0x0];
	_ =	sdelay $0x4  }
0x18: {  	v4 =	vshll.u32 v3, $0x3  }
0x19: {  	v3 =	vand.u32 $0x7, v3;
	v4 =	vand.u32 $0xFFFFFFC0, v4  }
0x1a: {  	v3 =	vor.u32 v3, v4  }
0x1b: {  	v4 =	vperm.xlane v3, v0;
	_ =	sdelay $0x1  }
0x1c: {  	v4 =	vadd.s32 v1, v4;
	_ =	sdelay $0x4  }
0x1d: {  	[tilespmem:s0], [sflag:$0x1] =	stream.indirect_vreg.gather [hbm4b:s3+s2], $0x80, v4, vm0, $0xb8;
	[tilespmem:$0x10100] =	vst v63  }
0x1e: {  	v3 =	vperm.xlane v3, v2  }
0x1f: {  	[tilespmem:s20], [sflag:$0x1] =	stream.indirect_vreg.gather [hbm4b:s4+s2], $0x80, v4, vm0, $0xb8;
	[tilespmem:$0x10100] =	vst v63  }
0x20: {  	v3 =	vadd.s32 v1, v3  }
0x21: {  	[tilespmem:s21], [sflag:$0x1] =	stream.indirect_vreg.gather [hbm4b:s5+s2], $0x80, v4, vm0, $0xb8;
	[tilespmem:$0x10100] =	vst v63  }
0x22: {  	_ = 	snop  }
0x23: {  	[tilespmem:s22], [sflag:$0x1] =	stream.indirect_vreg.gather [hbm4b:s6+s2], $0x80, v4, vm0, $0xb8;
	[tilespmem:$0x10100] =	vst v63  }
0x24: {  	_ = 	snop  }
0x25: {  	[tilespmem:s23], [sflag:$0x1] =	stream.indirect_vreg.gather [hbm4b:s3+s2], $0x80, v3, vm0, $0xb8;
	[tilespmem:$0x10100] =	vst v63  }
0x26: {  	_ = 	snop  }
0x27: {  	[tilespmem:s24], [sflag:$0x1] =	stream.indirect_vreg.gather [hbm4b:s4+s2], $0x80, v3, vm0, $0xb8;
	[tilespmem:$0x10100] =	vst v63  }
0x28: {  	_ = 	snop  }
0x29: {  	[tilespmem:s25], [sflag:$0x1] =	stream.indirect_vreg.gather [hbm4b:s5+s2], $0x80, v3, vm0, $0xb8;
	[tilespmem:$0x10100] =	vst v63  }
0x2a: {  	_ = 	snop  }
0x2b: {  	[tilespmem:s26], [sflag:$0x1] =	stream.indirect_vreg.gather [hbm4b:s6+s2], $0x80, v3, vm0, $0xb8;
	[tilespmem:$0x10100] =	vst v63  }
0x2c: {  	v3 =	vld [tilespmem:$0x10];
	_ =	sdelay $0x4  }
0x2d: {  	v57 =	vshll.u32 v3, $0x3  }
0x2e: {  	v3 =	vand.u32 $0x7, v3;
	v4 =	vand.u32 $0xFFFFFFC0, v57  }
0x2f: {  	v3 =	vor.u32 v3, v4  }
0x30: {  	v4 =	vperm.xlane v3, v0;
	_ =	sdelay $0x1  }
0x31: {  	v4 =	vadd.s32 v1, v4;
	_ =	sdelay $0x4  }
0x32: {  	[tilespmem:s28], [sflag:$0x1] =	stream.indirect_vreg.gather [hbm4b:s3+s2], $0x80, v4, vm0, $0xb8;
	[tilespmem:$0x10100] =	vst v63  }
0x33: {  	v3 =	vperm.xlane v3, v2  }
0x34: {  	[tilespmem:s29], [sflag:$0x1] =	stream.indirect_vreg.gather [hbm4b:s4+s2], $0x80, v4, vm0, $0xb8;
	[tilespmem:$0x10100] =	vst v63  }
0x35: {  	v3 =	vadd.s32 v1, v3  }
0x36: {  	[tilespmem:s30], [sflag:$0x1] =	stream.indirect_vreg.gather [hbm4b:s5+s2], $0x80, v4, vm0, $0xb8;
	[tilespmem:$0x10100] =	vst v63  }
0x37: {  	_ = 	snop  }
0x38: {  	[tilespmem:s31], [sflag:$0x1] =	stream.indirect_vreg.gather [hbm4b:s6+s2], $0x80, v4, vm0, $0xb8;
	[tilespmem:$0x10100] =	vst v63  }
0x39: {  	s1 =	simm.s32 $0x6100  }
0x3a: {  	[tilespmem:s1], [sflag:$0x1] =	stream.indirect_vreg.gather [hbm4b:s3+s2], $0x80, v3, vm0, $0xb8;
	[tilespmem:$0x10100] =	vst v63  }
0x3b: {  	s1 =	simm.s32 $0x6900  }
0x3c: {  	[tilespmem:s1], [sflag:$0x1] =	stream.indirect_vreg.gather [hbm4b:s4+s2], $0x80, v3, vm0, $0xb8;
	[tilespmem:$0x10100] =	vst v63  }
0x3d: {  	_ = 	snop  }
0x3e: {  	[tilespmem:s10], [sflag:$0x1] =	stream.indirect_vreg.gather [hbm4b:s5+s2], $0x80, v3, vm0, $0xb8;
	[tilespmem:$0x10100] =	vst v63  }
0x3f: {  	_ = 	snop  }
0x40: {  	[tilespmem:s11], [sflag:$0x1] =	stream.indirect_vreg.gather [hbm4b:s6+s2], $0x80, v3, vm0, $0xb8;
	[tilespmem:$0x10100] =	vst v63  }
0x41: {  	v3 =	vld [tilespmem:$0x20];
	_ =	sdelay $0x4  }
0x42: {  	v58 =	vshll.u32 v3, $0x3  }
0x43: {  	v3 =	vand.u32 $0x7, v3;
	v4 =	vand.u32 $0xFFFFFFC0, v58  }
0x44: {  	v3 =	vor.u32 v3, v4  }
0x45: {  	v4 =	vperm.xlane v3, v0;
	_ =	sdelay $0x1  }
0x46: {  	v4 =	vadd.s32 v1, v4;
	_ =	sdelay $0x4  }
0x47: {  	[tilespmem:s12], [sflag:$0x1] =	stream.indirect_vreg.gather [hbm4b:s3+s2], $0x80, v4, vm0, $0xb8;
	[tilespmem:$0x10100] =	vst v63  }
0x48: {  	v3 =	vperm.xlane v3, v2  }
0x49: {  	[tilespmem:s13], [sflag:$0x1] =	stream.indirect_vreg.gather [hbm4b:s4+s2], $0x80, v4, vm0, $0xb8;
	[tilespmem:$0x10100] =	vst v63  }
0x4a: {  	v3 =	vadd.s32 v1, v3  }
0x4b: {  	[tilespmem:s14], [sflag:$0x1] =	stream.indirect_vreg.gather [hbm4b:s5+s2], $0x80, v4, vm0, $0xb8;
	[tilespmem:$0x10100] =	vst v63  }
0x4c: {  	_ = 	snop  }
0x4d: {  	[tilespmem:s15], [sflag:$0x1] =	stream.indirect_vreg.gather [hbm4b:s6+s2], $0x80, v4, vm0, $0xb8;
	[tilespmem:$0x10100] =	vst v63  }
0x4e: {  	_ = 	snop  }
0x4f: {  	[tilespmem:s16], [sflag:$0x1] =	stream.indirect_vreg.gather [hbm4b:s3+s2], $0x80, v3, vm0, $0xb8;
	[tilespmem:$0x10100] =	vst v63  }
0x50: {  	_ = 	snop  }
0x51: {  	[tilespmem:s17], [sflag:$0x1] =	stream.indirect_vreg.gather [hbm4b:s4+s2], $0x80, v3, vm0, $0xb8;
	[tilespmem:$0x10100] =	vst v63  }
0x52: {  	_ = 	snop  }
0x53: {  	[tilespmem:s9], [sflag:$0x1] =	stream.indirect_vreg.gather [hbm4b:s5+s2], $0x80, v3, vm0, $0xb8;
	[tilespmem:$0x10100] =	vst v63  }
0x54: {  	s19 =	simm.s32 $0xB900  }
0x55: {  	[tilespmem:s19], [sflag:$0x1] =	stream.indirect_vreg.gather [hbm4b:s6+s2], $0x80, v3, vm0, $0xb8;
	[tilespmem:$0x10100] =	vst v63  }
0x56: {  	v3 =	vld [tilespmem:$0x30];
	_ =	sdelay $0x4  }
0x57: {  	v59 =	vshll.u32 v3, $0x3  }
0x58: {  	v3 =	vand.u32 $0x7, v3;
	v4 =	vand.u32 $0xFFFFFFC0, v59  }
0x59: {  	v3 =	vor.u32 v3, v4  }
0x5a: {  	v4 =	vperm.xlane v3, v0;
	_ =	sdelay $0x1  }
0x5b: {  	v4 =	vadd.s32 v1, v4;
	_ =	sdelay $0x3  }
0x5c: {  	s19 =	simm.s32 $0xC100  }
0x5d: {  	[tilespmem:s19], [sflag:$0x1] =	stream.indirect_vreg.gather [hbm4b:s3+s2], $0x80, v4, vm0, $0xb8;
	[tilespmem:$0x10100] =	vst v63  }
0x5e: {  	v3 =	vperm.xlane v3, v2;
	s19 =	simm.s32 $0xC900  }
0x5f: {  	[tilespmem:s19], [sflag:$0x1] =	stream.indirect_vreg.gather [hbm4b:s4+s2], $0x80, v4, vm0, $0xb8;
	[tilespmem:$0x10100] =	vst v63  }
0x60: {  	v3 =	vadd.s32 v1, v3;
	s19 =	simm.s32 $0xD100  }
0x61: {  	[tilespmem:s19], [sflag:$0x1] =	stream.indirect_vreg.gather [hbm4b:s5+s2], $0x80, v4, vm0, $0xb8;
	[tilespmem:$0x10100] =	vst v63  }
0x62: {  	s19 =	simm.s32 $0xD900  }
0x63: {  	[tilespmem:s19], [sflag:$0x1] =	stream.indirect_vreg.gather [hbm4b:s6+s2], $0x80, v4, vm0, $0xb8;
	[tilespmem:$0x10100] =	vst v63  }
0x64: {  	s19 =	simm.s32 $0xE100  }
0x65: {  	[tilespmem:s19], [sflag:$0x1] =	stream.indirect_vreg.gather [hbm4b:s3+s2], $0x80, v3, vm0, $0xb8;
	[tilespmem:$0x10100] =	vst v63  }
0x66: {  	s19 =	simm.s32 $0xE900  }
0x67: {  	[tilespmem:s19], [sflag:$0x1] =	stream.indirect_vreg.gather [hbm4b:s4+s2], $0x80, v3, vm0, $0xb8;
	[tilespmem:$0x10100] =	vst v63  }
0x68: {  	s19 =	simm.s32 $0xF100  }
0x69: {  	[tilespmem:s19], [sflag:$0x1] =	stream.indirect_vreg.gather [hbm4b:s5+s2], $0x80, v3, vm0, $0xb8;
	[tilespmem:$0x10100] =	vst v63  }
0x6a: {  	s19 =	simm.s32 $0xF900  }
0x6b: {  	[tilespmem:s19], [sflag:$0x1] =	stream.indirect_vreg.gather [hbm4b:s6+s2], $0x80, v3, vm0, $0xb8;
	[tilespmem:$0x10100] =	vst v63  }
0x6c: {  	_ =	swait.ge [sflag:s18], $0x10000  }
0x6d: {  	[sflag:s18] =	ssyncset.done $0x0  }
0x6e: {  	s19 =	rddreg [dreg:$0x3];
	[sflag:s18] =	ssyncadd.s32 $0xFFFF0000  }
0x6f: {  	[hbm4b:s19+s2] =	stream.linear.scatter [tilespmem:s0], [sflag:$0x2], $0x10000, $0x38;
	[tilespmem:$0x10100] =	vst v63  }
0x70: {  	_ =	swait.ge [sflag:s8], $0x10000  }
0x71: {  	[sflag:s8] =	ssyncset.done $0x0  }
0x72: {  	[sflag:s8] =	ssyncadd.s32 $0xFFFF0000  }
0x73: {  	v3 =	vld [tilespmem:$0x80];
	_ =	sdelay $0x4  }
0x74: {  	v60 =	vshll.u32 v3, $0x3  }
0x75: {  	v3 =	vand.u32 $0x7, v3;
	v4 =	vand.u32 $0xFFFFFFC0, v60  }
0x76: {  	v3 =	vor.u32 v3, v4  }
0x77: {  	v4 =	vperm.xlane v3, v0;
	_ =	sdelay $0x1  }
0x78: {  	v4 =	vadd.s32 v1, v4;
	_ =	sdelay $0x4  }
0x79: {  	[tilespmem:s0], [sflag:$0x1] =	stream.indirect_vreg.gather [hbm4b:s3+s2], $0x80, v4, vm0, $0xb8;
	[tilespmem:$0x10100] =	vst v63  }
0x7a: {  	v3 =	vperm.xlane v3, v2  }
0x7b: {  	[tilespmem:s20], [sflag:$0x1] =	stream.indirect_vreg.gather [hbm4b:s4+s2], $0x80, v4, vm0, $0xb8;
	[tilespmem:$0x10100] =	vst v63  }
0x7c: {  	v3 =	vadd.s32 v1, v3  }
0x7d: {  	[tilespmem:s21], [sflag:$0x1] =	stream.indirect_vreg.gather [hbm4b:s5+s2], $0x80, v4, vm0, $0xb8;
	[tilespmem:$0x10100] =	vst v63  }
0x7e: {  	_ = 	snop  }
0x7f: {  	[tilespmem:s22], [sflag:$0x1] =	stream.indirect_vreg.gather [hbm4b:s6+s2], $0x80, v4, vm0, $0xb8;
	[tilespmem:$0x10100] =	vst v63  }
0x80: {  	_ = 	snop  }
0x81: {  	[tilespmem:s23], [sflag:$0x1] =	stream.indirect_vreg.gather [hbm4b:s3+s2], $0x80, v3, vm0, $0xb8;
	[tilespmem:$0x10100] =	vst v63  }
0x82: {  	_ = 	snop  }
0x83: {  	[tilespmem:s24], [sflag:$0x1] =	stream.indirect_vreg.gather [hbm4b:s4+s2], $0x80, v3, vm0, $0xb8;
	[tilespmem:$0x10100] =	vst v63  }
0x84: {  	_ = 	snop  }
0x85: {  	[tilespmem:s25], [sflag:$0x1] =	stream.indirect_vreg.gather [hbm4b:s5+s2], $0x80, v3, vm0, $0xb8;
	[tilespmem:$0x10100] =	vst v63  }
0x86: {  	_ = 	snop  }
0x87: {  	[tilespmem:s26], [sflag:$0x1] =	stream.indirect_vreg.gather [hbm4b:s6+s2], $0x80, v3, vm0, $0xb8;
	[tilespmem:$0x10100] =	vst v63  }
0x88: {  	v3 =	vld [tilespmem:$0x90];
	_ =	sdelay $0x4  }
0x89: {  	v61 =	vshll.u32 v3, $0x3  }
0x8a: {  	v3 =	vand.u32 $0x7, v3;
	v4 =	vand.u32 $0xFFFFFFC0, v61  }
0x8b: {  	v3 =	vor.u32 v3, v4  }
0x8c: {  	v4 =	vperm.xlane v3, v0;
	_ =	sdelay $0x1  }
0x8d: {  	v4 =	vadd.s32 v1, v4;
	_ =	sdelay $0x4  }
0x8e: {  	[tilespmem:s28], [sflag:$0x1] =	stream.indirect_vreg.gather [hbm4b:s3+s2], $0x80, v4, vm0, $0xb8;
	[tilespmem:$0x10100] =	vst v63  }
0x8f: {  	v3 =	vperm.xlane v3, v2  }
0x90: {  	[tilespmem:s29], [sflag:$0x1] =	stream.indirect_vreg.gather [hbm4b:s4+s2], $0x80, v4, vm0, $0xb8;
	[tilespmem:$0x10100] =	vst v63  }
0x91: {  	v3 =	vadd.s32 v1, v3  }
0x92: {  	[tilespmem:s30], [sflag:$0x1] =	stream.indirect_vreg.gather [hbm4b:s5+s2], $0x80, v4, vm0, $0xb8;
	[tilespmem:$0x10100] =	vst v63  }
0x93: {  	_ = 	snop  }
0x94: {  	[tilespmem:s31], [sflag:$0x1] =	stream.indirect_vreg.gather [hbm4b:s6+s2], $0x80, v4, vm0, $0xb8;
	[tilespmem:$0x10100] =	vst v63  }
0x95: {  	s19 =	simm.s32 $0x6100  }
0x96: {  	[tilespmem:s19], [sflag:$0x1] =	stream.indirect_vreg.gather [hbm4b:s3+s2], $0x80, v3, vm0, $0xb8;
	[tilespmem:$0x10100] =	vst v63  }
0x97: {  	_ = 	snop  }
0x98: {  	[tilespmem:s1], [sflag:$0x1] =	stream.indirect_vreg.gather [hbm4b:s4+s2], $0x80, v3, vm0, $0xb8;
	[tilespmem:$0x10100] =	vst v63  }
0x99: {  	_ = 	snop  }
0x9a: {  	[tilespmem:s10], [sflag:$0x1] =	stream.indirect_vreg.gather [hbm4b:s5+s2], $0x80, v3, vm0, $0xb8;
	[tilespmem:$0x10100] =	vst v63  }
0x9b: {  	_ = 	snop  }
0x9c: {  	[tilespmem:s11], [sflag:$0x1] =	stream.indirect_vreg.gather [hbm4b:s6+s2], $0x80, v3, vm0, $0xb8;
	[tilespmem:$0x10100] =	vst v63  }
0x9d: {  	v3 =	vld [tilespmem:$0xA0];
	_ =	sdelay $0x4  }
0x9e: {  	v62 =	vshll.u32 v3, $0x3  }
0x9f: {  	v3 =	vand.u32 $0x7, v3;
	v4 =	vand.u32 $0xFFFFFFC0, v62  }
0xa0: {  	v3 =	vor.u32 v3, v4  }
0xa1: {  	v4 =	vperm.xlane v3, v0;
	_ =	sdelay $0x1  }
0xa2: {  	v4 =	vadd.s32 v1, v4;
	_ =	sdelay $0x4  }
0xa3: {  	[tilespmem:s12], [sflag:$0x1] =	stream.indirect_vreg.gather [hbm4b:s3+s2], $0x80, v4, vm0, $0xb8;
	[tilespmem:$0x10100] =	vst v63  }
0xa4: {  	v3 =	vperm.xlane v3, v2  }
0xa5: {  	[tilespmem:s13], [sflag:$0x1] =	stream.indirect_vreg.gather [hbm4b:s4+s2], $0x80, v4, vm0, $0xb8;
	[tilespmem:$0x10100] =	vst v63  }
0xa6: {  	v3 =	vadd.s32 v1, v3  }
0xa7: {  	[tilespmem:s14], [sflag:$0x1] =	stream.indirect_vreg.gather [hbm4b:s5+s2], $0x80, v4, vm0, $0xb8;
	[tilespmem:$0x10100] =	vst v63  }
0xa8: {  	_ = 	snop  }
0xa9: {  	[tilespmem:s15], [sflag:$0x1] =	stream.indirect_vreg.gather [hbm4b:s6+s2], $0x80, v4, vm0, $0xb8;
	[tilespmem:$0x10100] =	vst v63  }
0xaa: {  	_ = 	snop  }
0xab: {  	[tilespmem:s16], [sflag:$0x1] =	stream.indirect_vreg.gather [hbm4b:s3+s2], $0x80, v3, vm0, $0xb8;
	[tilespmem:$0x10100] =	vst v63  }
0xac: {  	_ = 	snop  }
0xad: {  	[tilespmem:s17], [sflag:$0x1] =	stream.indirect_vreg.gather [hbm4b:s4+s2], $0x80, v3, vm0, $0xb8;
	[tilespmem:$0x10100] =	vst v63  }
0xae: {  	_ = 	snop  }
0xaf: {  	[tilespmem:s9], [sflag:$0x1] =	stream.indirect_vreg.gather [hbm4b:s5+s2], $0x80, v3, vm0, $0xb8;
	[tilespmem:$0x10100] =	vst v63  }
0xb0: {  	s19 =	simm.s32 $0xB900  }
0xb1: {  	[tilespmem:s19], [sflag:$0x1] =	stream.indirect_vreg.gather [hbm4b:s6+s2], $0x80, v3, vm0, $0xb8;
	[tilespmem:$0x10100] =	vst v63  }
0xb2: {  	v3 =	vld [tilespmem:$0xB0];
	_ =	sdelay $0x4  }
0xb3: {  	v63 =	vshll.u32 v3, $0x3  }
0xb4: {  	v3 =	vand.u32 $0x7, v3;
	v4 =	vand.u32 $0xFFFFFFC0, v63  }
0xb5: {  	v3 =	vor.u32 v3, v4  }
0xb6: {  	v4 =	vperm.xlane v3, v0;
	_ =	sdelay $0x1  }
0xb7: {  	v4 =	vadd.s32 v1, v4;
	_ =	sdelay $0x3  }
0xb8: {  	s19 =	simm.s32 $0xC100  }
0xb9: {  	[tilespmem:s19], [sflag:$0x1] =	stream.indirect_vreg.gather [hbm4b:s3+s2], $0x80, v4, vm0, $0xb8;
	[tilespmem:$0x10100] =	vst v63  }
0xba: {  	v3 =	vperm.xlane v3, v2;
	s19 =	simm.s32 $0xC900  }
0xbb: {  	[tilespmem:s19], [sflag:$0x1] =	stream.indirect_vreg.gather [hbm4b:s4+s2], $0x80, v4, vm0, $0xb8;
	[tilespmem:$0x10100] =	vst v63  }
0xbc: {  	v3 =	vadd.s32 v1, v3;
	s19 =	simm.s32 $0xD100  }
0xbd: {  	[tilespmem:s19], [sflag:$0x1] =	stream.indirect_vreg.gather [hbm4b:s5+s2], $0x80, v4, vm0, $0xb8;
	[tilespmem:$0x10100] =	vst v63  }
0xbe: {  	s19 =	simm.s32 $0xD900  }
0xbf: {  	[tilespmem:s19], [sflag:$0x1] =	stream.indirect_vreg.gather [hbm4b:s6+s2], $0x80, v4, vm0, $0xb8;
	[tilespmem:$0x10100] =	vst v63  }
0xc0: {  	s19 =	simm.s32 $0xE100  }
0xc1: {  	[tilespmem:s19], [sflag:$0x1] =	stream.indirect_vreg.gather [hbm4b:s3+s2], $0x80, v3, vm0, $0xb8;
	[tilespmem:$0x10100] =	vst v63  }
0xc2: {  	s19 =	simm.s32 $0xE900  }
0xc3: {  	[tilespmem:s19], [sflag:$0x1] =	stream.indirect_vreg.gather [hbm4b:s4+s2], $0x80, v3, vm0, $0xb8;
	[tilespmem:$0x10100] =	vst v63  }
0xc4: {  	s19 =	simm.s32 $0xF100  }
0xc5: {  	[tilespmem:s19], [sflag:$0x1] =	stream.indirect_vreg.gather [hbm4b:s5+s2], $0x80, v3, vm0, $0xb8;
	[tilespmem:$0x10100] =	vst v63  }
0xc6: {  	s19 =	simm.s32 $0xF900  }
0xc7: {  	[tilespmem:s19], [sflag:$0x1] =	stream.indirect_vreg.gather [hbm4b:s6+s2], $0x80, v3, vm0, $0xb8;
	[tilespmem:$0x10100] =	vst v63  }
0xc8: {  	_ =	swait.ge [sflag:s18], $0x10000  }
0xc9: {  	p0 =	sne.s32 s7, $0x1;
	[sflag:s18] =	ssyncset.done $0x0  }
.Ltmp0:
0xca: {  	s1 =	rddreg [dreg:$0x4];
	[sflag:s18] =	ssyncadd.s32 $0xFFFF0000;
	(pc) =	sbr.rel @p0 .LBB2_1-.Ltmp0, $4  }
0xcb: {  	[hbm4b:s1+s2] =	stream.linear.scatter [tilespmem:s0], [sflag:$0x2], $0x10000, $0x38;
	[tilespmem:$0x10100] =	vst v63  }
0xcc: {  	_ =	swait.ge [sflag:s8], $0x10000  }
0xcd: {  	[sflag:s8] =	ssyncset.done $0x0  }
0xce: {  	s7 =	sadd.s32 $0xFFFFFFFF, s7;
	[sflag:s8] =	ssyncadd.s32 $0xFFFF0000  }
0xcf: {  	_ =	sfence.sel $0x180000  }
0xd0: {  	[bflag:$0x0] =	sbarrier.arrive $0xFFFF  }
0xd1: {  	_ =	strace $0x9000004A  }
0xd2: {  	s0 =	stileid.u32;
	[bflag:$0x2] =	sbarrier.arrive $0xFFFF  }
0xd3: {  	p0 =	sne.s32 s0, $0x0;
	s0 =	rddreg [dreg:$0x1]  }
0xd4: {  	s0 =	sadd.s32 @!p0 $0x100000, s0  }
0xd5: {  	[sflag:s0] =	ssyncadd.tile.s32 @!p0 $0x1;
	_ =	shalt  }
.Lfunc_end2:
_tile_overlayer_lowered:
.L_overlay_start_2:
0xd6: {  	(tag) =	ssettag $0x2  }
0xd7: {  	s0 =	rddreg [dreg:$0x0];
	s2 =	stileid.u32  }
0xd8: {  	s1 =	rddreg [dreg:$0x1];
	p0 =	sne.s32 s2, $0x0  }
0xd9: {  	s3 =	rddreg [dreg:$0x2];
	[bflag:$0x3] =	sbarrier.arrive $0xFFFF;
	s2 =	simm.s32 @!p0 $0x1C02  }
0xda: {  	[timem:s3], [sflag:s2] =	dma.local @!p0 [hbm:s0], s1  }
0xdb: {  	s0 =	simm.s32 @!p0 $0x2  }
0xdc: {  	_ =	swait.ge @!p0 [sflag:s0], s1  }
0xdd: {  	s1 =	ssub.s32 @!p0 $0x0, s1;
	[sflag:s0] =	ssyncset.done @!p0 $0x0  }
0xde: {  	[sflag:s0] =	ssyncadd.s32 @!p0 s1  }
0xdf: {  	[bflag:$0x3] =	sbarrier.arrive $0xFFFF  }
0xe0: {  	_ =	shalt  }

</sc_bundles>
